<compile_context>
chip_gen: v7x
topology: tpu7x:2x2x1
jax: 0.10.2.dev20260603
libtpu: 0.0.44.dev20260713+nightly
codegen_flags: <defaults>
</compile_context>

<pallas_src>
import functools

import jax
import jax.numpy as jnp
from jax import lax
from jax.experimental import pallas as pl
from jax.experimental.pallas import tpu as pltpu
from jax.experimental.pallas import tpu_sc as plsc

_B = 16384
_S = 50
_SP = 128
_D = 64
_NC = 2
_NS = 16
_NW = _NC * _NS
_ROWS_PER_W = _B // _NW
_IDX_PER_W = _ROWS_PER_W * _S
_STAGE_ROWS = 128
_N_STAGE = _ROWS_PER_W // _STAGE_ROWS
_CHUNK_ROWS = 4
_CHUNK = _CHUNK_ROWS * _S
_N_CHUNKS = _ROWS_PER_W // _CHUNK_ROWS
_NBUF = 4
_L = 16


def _make_gather():
  mesh = plsc.VectorSubcoreMesh(core_axis_name="c", subcore_axis_name="s")

  @functools.partial(
      pl.kernel,
      out_type=jax.ShapeDtypeStruct((_B, _S, _D), jnp.float32),
      mesh=mesh,
      compiler_params=pltpu.CompilerParams(use_tc_tiling_on_sc=False),
      scratch_types=[
          pltpu.VMEM((_STAGE_ROWS, _SP), jnp.int32),
          pltpu.VMEM((_IDX_PER_W,), jnp.int32),
          pltpu.VMEM((_NBUF, _CHUNK, _D), jnp.float32),
          [pltpu.SemaphoreType.DMA] * _NBUF,
          [pltpu.SemaphoreType.DMA] * _NBUF,
      ],
  )
  def gather_kernel(table_hbm, idx_hbm, out_hbm, idx_stage, dense, rows_v,
                    gsems, osems):
    wid = lax.axis_index("s") * _NC + lax.axis_index("c")
    row_base = wid * _ROWS_PER_W

    per_stage = _STAGE_ROWS * _S

    for q in range(_N_STAGE):
      pltpu.sync_copy(
          idx_hbm.at[pl.ds(row_base + q * _STAGE_ROWS, _STAGE_ROWS)],
          idx_stage)

      def repack(r, carry, q=q):
        dense_row = q * per_stage + r * _S
        for o in (0, _L, 2 * _L, _S - _L):
          vals = idx_stage[r, pl.ds(o, _L)]
          dense[pl.ds(dense_row + o, _L)] = vals
        return carry

      lax.fori_loop(0, _STAGE_ROWS, repack, 0, unroll=False)

    def gather_start(c, b, gsem):
      pltpu.async_copy(
          table_hbm.at[dense.at[pl.ds(c * _CHUNK, _CHUNK)]], rows_v.at[b],
          gsem)

    def gather_wait(c, b, gsem):
      pltpu.make_async_copy(
          table_hbm.at[dense.at[pl.ds(c * _CHUNK, _CHUNK)]], rows_v.at[b],
          gsem).wait()

    def out_start(c, b, osem):
      for m in range(_CHUNK_ROWS):
        pltpu.async_copy(
            rows_v.at[b].at[pl.ds(m * _S, _S)],
            out_hbm.at[row_base + c * _CHUNK_ROWS + m], osem)

    def out_wait(c, b, osem):
      for m in range(_CHUNK_ROWS):
        pltpu.make_async_copy(
            rows_v.at[b].at[pl.ds(m * _S, _S)],
            out_hbm.at[row_base + c * _CHUNK_ROWS + m], osem).wait()

    for b in range(_NBUF):
      gather_start(b, b, gsems[b])

    def step(i, carry):
      c0 = i * _NBUF
      for b in range(_NBUF):
        gather_wait(c0 + b, b, gsems[b])
        out_start(c0 + b, b, osems[b])
      for b in range(_NBUF):
        out_wait(c0 + b, b, osems[b])

        @pl.when(c0 + b + _NBUF < _N_CHUNKS)
        def _(c=c0 + b, b=b):
          gather_start(c + _NBUF, b, gsems[b])
      return carry

    lax.fori_loop(0, _N_CHUNKS // _NBUF, step, 0, unroll=False)

  return gather_kernel


_gather = _make_gather()


def kernel(idx, table):
  idx_p = jnp.pad(idx, ((0, 0), (0, _SP - _S)))
  return _gather(table, idx_p)

# --- scband reference (transcript-rebuilt; emitter-appended) ---
"""Pipeline reference for scband-embedding-layer-18863496364473 (READ-ONLY COPY).

The authoritative reference and input builder live on the scoring server;
editing this copy changes nothing except your own understanding.
"""

import jax, jax.numpy as jnp
import numpy as np

N_POI = 1000000
EMBED_DIM = 64

def setup_inputs(seed: int = 0) -> dict:
    key = jax.random.key(seed)
    k_idx, k_w = jax.random.split(key)
    idx = jax.random.randint(k_idx, (16384, 50), 0, N_POI, dtype=jnp.int64 if jax.config.jax_enable_x64 else jnp.int32)
    # xavier_normal init for embedding weight [N_POI, EMBED_DIM]
    std = float(np.sqrt(2.0 / (N_POI + EMBED_DIM)))
    table = jax.random.normal(k_w, (N_POI, EMBED_DIM), dtype=jnp.float32) * std
    return {"idx": idx, "table": table}

def reference(idx, table):
    # nn.Embedding forward: gather rows of table by idx
    return jnp.take(table, idx, axis=0)

if __name__ == "__main__":
    import jax
    _d = setup_inputs()
    print(jax.jit(kernel)(*tuple(_d.values())))

</pallas_src>

<mosaic_0001>
#map = affine_map<(d0, d1) -> (0, 0)>
#map1 = affine_map<(d0, d1) -> (0, 0, 0)>
module attributes {stable_mosaic.version = 14 : i64} {
  func.func @gather_kernel(%arg0: i32, %arg1: i32, %arg2: memref<1000000x64xf32, #tpu.memory_space<hbm>>, %arg3: memref<16384x128xi32, #tpu.memory_space<hbm>>, %arg4: memref<16384x50x64xf32, #tpu.memory_space<hbm>>, %arg5: memref<128x128xi32, #tpu.memory_space<vmem>>, %arg6: memref<25600xi32, #tpu.memory_space<vmem>>, %arg7: memref<4x200x64xf32, #tpu.memory_space<vmem>>, %arg8: memref<!tpu.dma_semaphore, #tpu.memory_space<semaphore_mem>>, %arg9: memref<!tpu.dma_semaphore, #tpu.memory_space<semaphore_mem>>, %arg10: memref<!tpu.dma_semaphore, #tpu.memory_space<semaphore_mem>>, %arg11: memref<!tpu.dma_semaphore, #tpu.memory_space<semaphore_mem>>, %arg12: memref<!tpu.dma_semaphore, #tpu.memory_space<semaphore_mem>>, %arg13: memref<!tpu.dma_semaphore, #tpu.memory_space<semaphore_mem>>, %arg14: memref<!tpu.dma_semaphore, #tpu.memory_space<semaphore_mem>>, %arg15: memref<!tpu.dma_semaphore, #tpu.memory_space<semaphore_mem>>) attributes {dimension_semantics = [#tpu.dimension_semantics<core_parallel>, #tpu.dimension_semantics<subcore_parallel>], iteration_bounds = array<i64: 2, 16>, scalar_prefetch = 0 : i64, scratch_operands = 11 : i64, tpu.core_type = #tpu.core_type<sc_vector_subcore>, window_params = [{transform_indices = #map}, {transform_indices = #map}, {transform_indices = #map1}]} {
    %mul3A = arith.constant 2 : i32
    %mul3A_0 = arith.muli %arg1, %mul3A : i32
    %add3A = arith.addi %mul3A_0, %arg0 : i32
    %mul3A_1 = arith.constant 512 : i32
    %mul3A_2 = arith.muli %add3A, %mul3A_1 : i32
    %add3A_3 = arith.constant 0 : i32
    %add3A_4 = arith.addi %mul3A_2, %add3A_3 : i32
    "tpu.region"() ({
      %run_scoped3A = tpu.sem_alloc : memref<!tpu.dma_semaphore, #tpu.memory_space<semaphore_mem>>
      %dma_start3A_79 = arith.constant 0 : i32
      %dma_start3A_80 = tpu.memref_slice %arg3[%add3A_4, %dma_start3A_79] : memref<16384x128xi32, #tpu.memory_space<hbm>> -> memref<128x128xi32, #tpu.memory_space<hbm>>
      %dma_start3A_81 = arith.constant 0 : i32
      %dma_start3A_82 = tpu.memref_slice %arg3[%add3A_4, %dma_start3A_81] : memref<16384x128xi32, #tpu.memory_space<hbm>> -> memref<128x128xi32, #tpu.memory_space<hbm>>
      tpu.enqueue_dma source(%dma_start3A_82 : memref<128x128xi32, #tpu.memory_space<hbm>>) target(%arg5 : memref<128x128xi32, #tpu.memory_space<vmem>>) target_semaphore(%run_scoped3A : memref<!tpu.dma_semaphore, #tpu.memory_space<semaphore_mem>>)
      %dma_wait3A = arith.constant 0 : i32
      %dma_wait3A_83 = tpu.memref_slice %arg3[%add3A_4, %dma_wait3A] : memref<16384x128xi32, #tpu.memory_space<hbm>> -> memref<128x128xi32, #tpu.memory_space<hbm>>
      %dma_wait3A_84 = arith.constant 0 : i32
      %dma_wait3A_85 = tpu.memref_slice %arg3[%add3A_4, %dma_wait3A_84] : memref<16384x128xi32, #tpu.memory_space<hbm>> -> memref<128x128xi32, #tpu.memory_space<hbm>>
      tpu.wait_dma2 semaphore(%run_scoped3A : memref<!tpu.dma_semaphore, #tpu.memory_space<semaphore_mem>>) src(%dma_wait3A_85 : memref<128x128xi32, #tpu.memory_space<hbm>>) dst(%arg5 : memref<128x128xi32, #tpu.memory_space<vmem>>)
      tpu.yield
    }) : () -> ()
    %scan3A = arith.constant 0 : i32
    %scan3A_5 = arith.constant 0 : i32
    %scan3A_6 = arith.constant 128 : i32
    %scan3A_7 = arith.addi %scan3A_5, %scan3A_6 : i32
    %scan3A_8 = arith.constant 1 : i32
    scf.for %scan3A_79 = %scan3A_5 to %scan3A_7 step %scan3A_8  : i32 {
      %mul3A_80 = arith.constant 50 : i32
      %mul3A_81 = arith.muli %scan3A_79, %mul3A_80 : i32
      %add3A_82 = arith.constant 0 : i32
      %add3A_83 = arith.addi %add3A_82, %mul3A_81 : i32
      %get3A = arith.index_cast %scan3A_79 : i32 to index
      %get3A_84 = arith.constant 0 : index
      %get3A_85 = tpu.vector_load %arg5[%get3A, %get3A_84] {strides = array<i32>} : memref<128x128xi32, #tpu.memory_space<vmem>>, vector<1x16xi32>,
      %get3A_86 = vector.shape_cast %get3A_85 : vector<1x16xi32> to vector<16xi32>
      %add3A_87 = arith.constant 0 : i32
      %add3A_88 = arith.addi %add3A_83, %add3A_87 : i32
      %swap3A = arith.index_cast %add3A_88 : i32 to index
      %swap3A_89 = tpu.vector_load %arg6[%swap3A] {strides = array<i32>} : memref<25600xi32, #tpu.memory_space<vmem>>, vector<16xi32>,
      %swap3A_90 = vector.shape_cast %swap3A_89 : vector<16xi32> to vector<16xi32>
      %swap3A_91 = vector.shape_cast %get3A_86 : vector<16xi32> to vector<16xi32>
      tpu.vector_store %arg6[%swap3A], %swap3A_91 {strides = array<i32>} : memref<25600xi32, #tpu.memory_space<vmem>>, vector<16xi32>,
      %get3A_92 = arith.index_cast %scan3A_79 : i32 to index
      %get3A_93 = arith.constant 16 : index
      %get3A_94 = tpu.vector_load %arg5[%get3A_92, %get3A_93] {strides = array<i32>} : memref<128x128xi32, #tpu.memory_space<vmem>>, vector<1x16xi32>,
      %get3A_95 = vector.shape_cast %get3A_94 : vector<1x16xi32> to vector<16xi32>
      %add3A_96 = arith.constant 16 : i32
      %add3A_97 = arith.addi %add3A_83, %add3A_96 : i32
      %swap3A_98 = arith.index_cast %add3A_97 : i32 to index
      %swap3A_99 = tpu.vector_load %arg6[%swap3A_98] {strides = array<i32>} : memref<25600xi32, #tpu.memory_space<vmem>>, vector<16xi32>,
      %swap3A_100 = vector.shape_cast %swap3A_99 : vector<16xi32> to vector<16xi32>
      %swap3A_101 = vector.shape_cast %get3A_95 : vector<16xi32> to vector<16xi32>
      tpu.vector_store %arg6[%swap3A_98], %swap3A_101 {strides = array<i32>} : memref<25600xi32, #tpu.memory_space<vmem>>, vector<16xi32>,
      %get3A_102 = arith.index_cast %scan3A_79 : i32 to index
      %get3A_103 = arith.constant 32 : index
      %get3A_104 = tpu.vector_load %arg5[%get3A_102, %get3A_103] {strides = array<i32>} : memref<128x128xi32, #tpu.memory_space<vmem>>, vector<1x16xi32>,
      %get3A_105 = vector.shape_cast %get3A_104 : vector<1x16xi32> to vector<16xi32>
      %add3A_106 = arith.constant 32 : i32
      %add3A_107 = arith.addi %add3A_83, %add3A_106 : i32
      %swap3A_108 = arith.index_cast %add3A_107 : i32 to index
      %swap3A_109 = tpu.vector_load %arg6[%swap3A_108] {strides = array<i32>} : memref<25600xi32, #tpu.memory_space<vmem>>, vector<16xi32>,
      %swap3A_110 = vector.shape_cast %swap3A_109 : vector<16xi32> to vector<16xi32>
      %swap3A_111 = vector.shape_cast %get3A_105 : vector<16xi32> to vector<16xi32>
      tpu.vector_store %arg6[%swap3A_108], %swap3A_111 {strides = array<i32>} : memref<25600xi32, #tpu.memory_space<vmem>>, vector<16xi32>,
      %get3A_112 = arith.index_cast %scan3A_79 : i32 to index
      %get3A_113 = arith.constant 34 : index
      %get3A_114 = tpu.vector_load %arg5[%get3A_112, %get3A_113] {strides = array<i32>} : memref<128x128xi32, #tpu.memory_space<vmem>>, vector<1x16xi32>,
      %get3A_115 = vector.shape_cast %get3A_114 : vector<1x16xi32> to vector<16xi32>
      %add3A_116 = arith.constant 34 : i32
      %add3A_117 = arith.addi %add3A_83, %add3A_116 : i32
      %swap3A_118 = arith.index_cast %add3A_117 : i32 to index
      %swap3A_119 = tpu.vector_load %arg6[%swap3A_118] {strides = array<i32>} : memref<25600xi32, #tpu.memory_space<vmem>>, vector<16xi32>,
      %swap3A_120 = vector.shape_cast %swap3A_119 : vector<16xi32> to vector<16xi32>
      %swap3A_121 = vector.shape_cast %get3A_115 : vector<16xi32> to vector<16xi32>
      tpu.vector_store %arg6[%swap3A_118], %swap3A_121 {strides = array<i32>} : memref<25600xi32, #tpu.memory_space<vmem>>, vector<16xi32>,
    }
    %scan3A_9 = arith.constant 128 : i32
    %add3A_10 = arith.constant 128 : i32
    %add3A_11 = arith.addi %mul3A_2, %add3A_10 : i32
    "tpu.region"() ({
      %run_scoped3A = tpu.sem_alloc : memref<!tpu.dma_semaphore, #tpu.memory_space<semaphore_mem>>
      %dma_start3A_79 = arith.constant 0 : i32
      %dma_start3A_80 = tpu.memref_slice %arg3[%add3A_11, %dma_start3A_79] : memref<16384x128xi32, #tpu.memory_space<hbm>> -> memref<128x128xi32, #tpu.memory_space<hbm>>
      %dma_start3A_81 = arith.constant 0 : i32
      %dma_start3A_82 = tpu.memref_slice %arg3[%add3A_11, %dma_start3A_81] : memref<16384x128xi32, #tpu.memory_space<hbm>> -> memref<128x128xi32, #tpu.memory_space<hbm>>
      tpu.enqueue_dma source(%dma_start3A_82 : memref<128x128xi32, #tpu.memory_space<hbm>>) target(%arg5 : memref<128x128xi32, #tpu.memory_space<vmem>>) target_semaphore(%run_scoped3A : memref<!tpu.dma_semaphore, #tpu.memory_space<semaphore_mem>>)
      %dma_wait3A = arith.constant 0 : i32
      %dma_wait3A_83 = tpu.memref_slice %arg3[%add3A_11, %dma_wait3A] : memref<16384x128xi32, #tpu.memory_space<hbm>> -> memref<128x128xi32, #tpu.memory_space<hbm>>
      %dma_wait3A_84 = arith.constant 0 : i32
      %dma_wait3A_85 = tpu.memref_slice %arg3[%add3A_11, %dma_wait3A_84] : memref<16384x128xi32, #tpu.memory_space<hbm>> -> memref<128x128xi32, #tpu.memory_space<hbm>>
      tpu.wait_dma2 semaphore(%run_scoped3A : memref<!tpu.dma_semaphore, #tpu.memory_space<semaphore_mem>>) src(%dma_wait3A_85 : memref<128x128xi32, #tpu.memory_space<hbm>>) dst(%arg5 : memref<128x128xi32, #tpu.memory_space<vmem>>)
      tpu.yield
    }) : () -> ()
    %scan3A_12 = arith.constant 0 : i32
    %scan3A_13 = arith.constant 0 : i32
    %scan3A_14 = arith.constant 128 : i32
    %scan3A_15 = arith.addi %scan3A_13, %scan3A_14 : i32
    %scan3A_16 = arith.constant 1 : i32
    scf.for %scan3A_79 = %scan3A_13 to %scan3A_15 step %scan3A_16  : i32 {
      %mul3A_80 = arith.constant 50 : i32
      %mul3A_81 = arith.muli %scan3A_79, %mul3A_80 : i32
      %add3A_82 = arith.constant 6400 : i32
      %add3A_83 = arith.addi %add3A_82, %mul3A_81 : i32
      %get3A = arith.index_cast %scan3A_79 : i32 to index
      %get3A_84 = arith.constant 0 : index
      %get3A_85 = tpu.vector_load %arg5[%get3A, %get3A_84] {strides = array<i32>} : memref<128x128xi32, #tpu.memory_space<vmem>>, vector<1x16xi32>,
      %get3A_86 = vector.shape_cast %get3A_85 : vector<1x16xi32> to vector<16xi32>
      %add3A_87 = arith.constant 0 : i32
      %add3A_88 = arith.addi %add3A_83, %add3A_87 : i32
      %swap3A = arith.index_cast %add3A_88 : i32 to index
      %swap3A_89 = tpu.vector_load %arg6[%swap3A] {strides = array<i32>} : memref<25600xi32, #tpu.memory_space<vmem>>, vector<16xi32>,
      %swap3A_90 = vector.shape_cast %swap3A_89 : vector<16xi32> to vector<16xi32>
      %swap3A_91 = vector.shape_cast %get3A_86 : vector<16xi32> to vector<16xi32>
      tpu.vector_store %arg6[%swap3A], %swap3A_91 {strides = array<i32>} : memref<25600xi32, #tpu.memory_space<vmem>>, vector<16xi32>,
      %get3A_92 = arith.index_cast %scan3A_79 : i32 to index
      %get3A_93 = arith.constant 16 : index
      %get3A_94 = tpu.vector_load %arg5[%get3A_92, %get3A_93] {strides = array<i32>} : memref<128x128xi32, #tpu.memory_space<vmem>>, vector<1x16xi32>,
      %get3A_95 = vector.shape_cast %get3A_94 : vector<1x16xi32> to vector<16xi32>
      %add3A_96 = arith.constant 16 : i32
      %add3A_97 = arith.addi %add3A_83, %add3A_96 : i32
      %swap3A_98 = arith.index_cast %add3A_97 : i32 to index
      %swap3A_99 = tpu.vector_load %arg6[%swap3A_98] {strides = array<i32>} : memref<25600xi32, #tpu.memory_space<vmem>>, vector<16xi32>,
      %swap3A_100 = vector.shape_cast %swap3A_99 : vector<16xi32> to vector<16xi32>
      %swap3A_101 = vector.shape_cast %get3A_95 : vector<16xi32> to vector<16xi32>
      tpu.vector_store %arg6[%swap3A_98], %swap3A_101 {strides = array<i32>} : memref<25600xi32, #tpu.memory_space<vmem>>, vector<16xi32>,
      %get3A_102 = arith.index_cast %scan3A_79 : i32 to index
      %get3A_103 = arith.constant 32 : index
      %get3A_104 = tpu.vector_load %arg5[%get3A_102, %get3A_103] {strides = array<i32>} : memref<128x128xi32, #tpu.memory_space<vmem>>, vector<1x16xi32>,
      %get3A_105 = vector.shape_cast %get3A_104 : vector<1x16xi32> to vector<16xi32>
      %add3A_106 = arith.constant 32 : i32
      %add3A_107 = arith.addi %add3A_83, %add3A_106 : i32
      %swap3A_108 = arith.index_cast %add3A_107 : i32 to index
      %swap3A_109 = tpu.vector_load %arg6[%swap3A_108] {strides = array<i32>} : memref<25600xi32, #tpu.memory_space<vmem>>, vector<16xi32>,
      %swap3A_110 = vector.shape_cast %swap3A_109 : vector<16xi32> to vector<16xi32>
      %swap3A_111 = vector.shape_cast %get3A_105 : vector<16xi32> to vector<16xi32>
      tpu.vector_store %arg6[%swap3A_108], %swap3A_111 {strides = array<i32>} : memref<25600xi32, #tpu.memory_space<vmem>>, vector<16xi32>,
      %get3A_112 = arith.index_cast %scan3A_79 : i32 to index
      %get3A_113 = arith.constant 34 : index
      %get3A_114 = tpu.vector_load %arg5[%get3A_112, %get3A_113] {strides = array<i32>} : memref<128x128xi32, #tpu.memory_space<vmem>>, vector<1x16xi32>,
      %get3A_115 = vector.shape_cast %get3A_114 : vector<1x16xi32> to vector<16xi32>
      %add3A_116 = arith.constant 34 : i32
      %add3A_117 = arith.addi %add3A_83, %add3A_116 : i32
      %swap3A_118 = arith.index_cast %add3A_117 : i32 to index
      %swap3A_119 = tpu.vector_load %arg6[%swap3A_118] {strides = array<i32>} : memref<25600xi32, #tpu.memory_space<vmem>>, vector<16xi32>,
      %swap3A_120 = vector.shape_cast %swap3A_119 : vector<16xi32> to vector<16xi32>
      %swap3A_121 = vector.shape_cast %get3A_115 : vector<16xi32> to vector<16xi32>
      tpu.vector_store %arg6[%swap3A_118], %swap3A_121 {strides = array<i32>} : memref<25600xi32, #tpu.memory_space<vmem>>, vector<16xi32>,
    }
    %scan3A_17 = arith.constant 128 : i32
    %add3A_18 = arith.constant 256 : i32
    %add3A_19 = arith.addi %mul3A_2, %add3A_18 : i32
    "tpu.region"() ({
      %run_scoped3A = tpu.sem_alloc : memref<!tpu.dma_semaphore, #tpu.memory_space<semaphore_mem>>
      %dma_start3A_79 = arith.constant 0 : i32
      %dma_start3A_80 = tpu.memref_slice %arg3[%add3A_19, %dma_start3A_79] : memref<16384x128xi32, #tpu.memory_space<hbm>> -> memref<128x128xi32, #tpu.memory_space<hbm>>
      %dma_start3A_81 = arith.constant 0 : i32
      %dma_start3A_82 = tpu.memref_slice %arg3[%add3A_19, %dma_start3A_81] : memref<16384x128xi32, #tpu.memory_space<hbm>> -> memref<128x128xi32, #tpu.memory_space<hbm>>
      tpu.enqueue_dma source(%dma_start3A_82 : memref<128x128xi32, #tpu.memory_space<hbm>>) target(%arg5 : memref<128x128xi32, #tpu.memory_space<vmem>>) target_semaphore(%run_scoped3A : memref<!tpu.dma_semaphore, #tpu.memory_space<semaphore_mem>>)
      %dma_wait3A = arith.constant 0 : i32
      %dma_wait3A_83 = tpu.memref_slice %arg3[%add3A_19, %dma_wait3A] : memref<16384x128xi32, #tpu.memory_space<hbm>> -> memref<128x128xi32, #tpu.memory_space<hbm>>
      %dma_wait3A_84 = arith.constant 0 : i32
      %dma_wait3A_85 = tpu.memref_slice %arg3[%add3A_19, %dma_wait3A_84] : memref<16384x128xi32, #tpu.memory_space<hbm>> -> memref<128x128xi32, #tpu.memory_space<hbm>>
      tpu.wait_dma2 semaphore(%run_scoped3A : memref<!tpu.dma_semaphore, #tpu.memory_space<semaphore_mem>>) src(%dma_wait3A_85 : memref<128x128xi32, #tpu.memory_space<hbm>>) dst(%arg5 : memref<128x128xi32, #tpu.memory_space<vmem>>)
      tpu.yield
    }) : () -> ()
    %scan3A_20 = arith.constant 0 : i32
    %scan3A_21 = arith.constant 0 : i32
    %scan3A_22 = arith.constant 128 : i32
    %scan3A_23 = arith.addi %scan3A_21, %scan3A_22 : i32
    %scan3A_24 = arith.constant 1 : i32
    scf.for %scan3A_79 = %scan3A_21 to %scan3A_23 step %scan3A_24  : i32 {
      %mul3A_80 = arith.constant 50 : i32
      %mul3A_81 = arith.muli %scan3A_79, %mul3A_80 : i32
      %add3A_82 = arith.constant 12800 : i32
      %add3A_83 = arith.addi %add3A_82, %mul3A_81 : i32
      %get3A = arith.index_cast %scan3A_79 : i32 to index
      %get3A_84 = arith.constant 0 : index
      %get3A_85 = tpu.vector_load %arg5[%get3A, %get3A_84] {strides = array<i32>} : memref<128x128xi32, #tpu.memory_space<vmem>>, vector<1x16xi32>,
      %get3A_86 = vector.shape_cast %get3A_85 : vector<1x16xi32> to vector<16xi32>
      %add3A_87 = arith.constant 0 : i32
      %add3A_88 = arith.addi %add3A_83, %add3A_87 : i32
      %swap3A = arith.index_cast %add3A_88 : i32 to index
      %swap3A_89 = tpu.vector_load %arg6[%swap3A] {strides = array<i32>} : memref<25600xi32, #tpu.memory_space<vmem>>, vector<16xi32>,
      %swap3A_90 = vector.shape_cast %swap3A_89 : vector<16xi32> to vector<16xi32>
      %swap3A_91 = vector.shape_cast %get3A_86 : vector<16xi32> to vector<16xi32>
      tpu.vector_store %arg6[%swap3A], %swap3A_91 {strides = array<i32>} : memref<25600xi32, #tpu.memory_space<vmem>>, vector<16xi32>,
      %get3A_92 = arith.index_cast %scan3A_79 : i32 to index
      %get3A_93 = arith.constant 16 : index
      %get3A_94 = tpu.vector_load %arg5[%get3A_92, %get3A_93] {strides = array<i32>} : memref<128x128xi32, #tpu.memory_space<vmem>>, vector<1x16xi32>,
      %get3A_95 = vector.shape_cast %get3A_94 : vector<1x16xi32> to vector<16xi32>
      %add3A_96 = arith.constant 16 : i32
      %add3A_97 = arith.addi %add3A_83, %add3A_96 : i32
      %swap3A_98 = arith.index_cast %add3A_97 : i32 to index
      %swap3A_99 = tpu.vector_load %arg6[%swap3A_98] {strides = array<i32>} : memref<25600xi32, #tpu.memory_space<vmem>>, vector<16xi32>,
      %swap3A_100 = vector.shape_cast %swap3A_99 : vector<16xi32> to vector<16xi32>
      %swap3A_101 = vector.shape_cast %get3A_95 : vector<16xi32> to vector<16xi32>
      tpu.vector_store %arg6[%swap3A_98], %swap3A_101 {strides = array<i32>} : memref<25600xi32, #tpu.memory_space<vmem>>, vector<16xi32>,
      %get3A_102 = arith.index_cast %scan3A_79 : i32 to index
      %get3A_103 = arith.constant 32 : index
      %get3A_104 = tpu.vector_load %arg5[%get3A_102, %get3A_103] {strides = array<i32>} : memref<128x128xi32, #tpu.memory_space<vmem>>, vector<1x16xi32>,
      %get3A_105 = vector.shape_cast %get3A_104 : vector<1x16xi32> to vector<16xi32>
      %add3A_106 = arith.constant 32 : i32
      %add3A_107 = arith.addi %add3A_83, %add3A_106 : i32
      %swap3A_108 = arith.index_cast %add3A_107 : i32 to index
      %swap3A_109 = tpu.vector_load %arg6[%swap3A_108] {strides = array<i32>} : memref<25600xi32, #tpu.memory_space<vmem>>, vector<16xi32>,
      %swap3A_110 = vector.shape_cast %swap3A_109 : vector<16xi32> to vector<16xi32>
      %swap3A_111 = vector.shape_cast %get3A_105 : vector<16xi32> to vector<16xi32>
      tpu.vector_store %arg6[%swap3A_108], %swap3A_111 {strides = array<i32>} : memref<25600xi32, #tpu.memory_space<vmem>>, vector<16xi32>,
      %get3A_112 = arith.index_cast %scan3A_79 : i32 to index
      %get3A_113 = arith.constant 34 : index
      %get3A_114 = tpu.vector_load %arg5[%get3A_112, %get3A_113] {strides = array<i32>} : memref<128x128xi32, #tpu.memory_space<vmem>>, vector<1x16xi32>,
      %get3A_115 = vector.shape_cast %get3A_114 : vector<1x16xi32> to vector<16xi32>
      %add3A_116 = arith.constant 34 : i32
      %add3A_117 = arith.addi %add3A_83, %add3A_116 : i32
      %swap3A_118 = arith.index_cast %add3A_117 : i32 to index
      %swap3A_119 = tpu.vector_load %arg6[%swap3A_118] {strides = array<i32>} : memref<25600xi32, #tpu.memory_space<vmem>>, vector<16xi32>,
      %swap3A_120 = vector.shape_cast %swap3A_119 : vector<16xi32> to vector<16xi32>
      %swap3A_121 = vector.shape_cast %get3A_115 : vector<16xi32> to vector<16xi32>
      tpu.vector_store %arg6[%swap3A_118], %swap3A_121 {strides = array<i32>} : memref<25600xi32, #tpu.memory_space<vmem>>, vector<16xi32>,
    }
    %scan3A_25 = arith.constant 128 : i32
    %add3A_26 = arith.constant 384 : i32
    %add3A_27 = arith.addi %mul3A_2, %add3A_26 : i32
    "tpu.region"() ({
      %run_scoped3A = tpu.sem_alloc : memref<!tpu.dma_semaphore, #tpu.memory_space<semaphore_mem>>
      %dma_start3A_79 = arith.constant 0 : i32
      %dma_start3A_80 = tpu.memref_slice %arg3[%add3A_27, %dma_start3A_79] : memref<16384x128xi32, #tpu.memory_space<hbm>> -> memref<128x128xi32, #tpu.memory_space<hbm>>
      %dma_start3A_81 = arith.constant 0 : i32
      %dma_start3A_82 = tpu.memref_slice %arg3[%add3A_27, %dma_start3A_81] : memref<16384x128xi32, #tpu.memory_space<hbm>> -> memref<128x128xi32, #tpu.memory_space<hbm>>
      tpu.enqueue_dma source(%dma_start3A_82 : memref<128x128xi32, #tpu.memory_space<hbm>>) target(%arg5 : memref<128x128xi32, #tpu.memory_space<vmem>>) target_semaphore(%run_scoped3A : memref<!tpu.dma_semaphore, #tpu.memory_space<semaphore_mem>>)
      %dma_wait3A = arith.constant 0 : i32
      %dma_wait3A_83 = tpu.memref_slice %arg3[%add3A_27, %dma_wait3A] : memref<16384x128xi32, #tpu.memory_space<hbm>> -> memref<128x128xi32, #tpu.memory_space<hbm>>
      %dma_wait3A_84 = arith.constant 0 : i32
      %dma_wait3A_85 = tpu.memref_slice %arg3[%add3A_27, %dma_wait3A_84] : memref<16384x128xi32, #tpu.memory_space<hbm>> -> memref<128x128xi32, #tpu.memory_space<hbm>>
      tpu.wait_dma2 semaphore(%run_scoped3A : memref<!tpu.dma_semaphore, #tpu.memory_space<semaphore_mem>>) src(%dma_wait3A_85 : memref<128x128xi32, #tpu.memory_space<hbm>>) dst(%arg5 : memref<128x128xi32, #tpu.memory_space<vmem>>)
      tpu.yield
    }) : () -> ()
    %scan3A_28 = arith.constant 0 : i32
    %scan3A_29 = arith.constant 0 : i32
    %scan3A_30 = arith.constant 128 : i32
    %scan3A_31 = arith.addi %scan3A_29, %scan3A_30 : i32
    %scan3A_32 = arith.constant 1 : i32
    scf.for %scan3A_79 = %scan3A_29 to %scan3A_31 step %scan3A_32  : i32 {
      %mul3A_80 = arith.constant 50 : i32
      %mul3A_81 = arith.muli %scan3A_79, %mul3A_80 : i32
      %add3A_82 = arith.constant 19200 : i32
      %add3A_83 = arith.addi %add3A_82, %mul3A_81 : i32
      %get3A = arith.index_cast %scan3A_79 : i32 to index
      %get3A_84 = arith.constant 0 : index
      %get3A_85 = tpu.vector_load %arg5[%get3A, %get3A_84] {strides = array<i32>} : memref<128x128xi32, #tpu.memory_space<vmem>>, vector<1x16xi32>,
      %get3A_86 = vector.shape_cast %get3A_85 : vector<1x16xi32> to vector<16xi32>
      %add3A_87 = arith.constant 0 : i32
      %add3A_88 = arith.addi %add3A_83, %add3A_87 : i32
      %swap3A = arith.index_cast %add3A_88 : i32 to index
      %swap3A_89 = tpu.vector_load %arg6[%swap3A] {strides = array<i32>} : memref<25600xi32, #tpu.memory_space<vmem>>, vector<16xi32>,
      %swap3A_90 = vector.shape_cast %swap3A_89 : vector<16xi32> to vector<16xi32>
      %swap3A_91 = vector.shape_cast %get3A_86 : vector<16xi32> to vector<16xi32>
      tpu.vector_store %arg6[%swap3A], %swap3A_91 {strides = array<i32>} : memref<25600xi32, #tpu.memory_space<vmem>>, vector<16xi32>,
      %get3A_92 = arith.index_cast %scan3A_79 : i32 to index
      %get3A_93 = arith.constant 16 : index
      %get3A_94 = tpu.vector_load %arg5[%get3A_92, %get3A_93] {strides = array<i32>} : memref<128x128xi32, #tpu.memory_space<vmem>>, vector<1x16xi32>,
      %get3A_95 = vector.shape_cast %get3A_94 : vector<1x16xi32> to vector<16xi32>
      %add3A_96 = arith.constant 16 : i32
      %add3A_97 = arith.addi %add3A_83, %add3A_96 : i32
      %swap3A_98 = arith.index_cast %add3A_97 : i32 to index
      %swap3A_99 = tpu.vector_load %arg6[%swap3A_98] {strides = array<i32>} : memref<25600xi32, #tpu.memory_space<vmem>>, vector<16xi32>,
      %swap3A_100 = vector.shape_cast %swap3A_99 : vector<16xi32> to vector<16xi32>
      %swap3A_101 = vector.shape_cast %get3A_95 : vector<16xi32> to vector<16xi32>
      tpu.vector_store %arg6[%swap3A_98], %swap3A_101 {strides = array<i32>} : memref<25600xi32, #tpu.memory_space<vmem>>, vector<16xi32>,
      %get3A_102 = arith.index_cast %scan3A_79 : i32 to index
      %get3A_103 = arith.constant 32 : index
      %get3A_104 = tpu.vector_load %arg5[%get3A_102, %get3A_103] {strides = array<i32>} : memref<128x128xi32, #tpu.memory_space<vmem>>, vector<1x16xi32>,
      %get3A_105 = vector.shape_cast %get3A_104 : vector<1x16xi32> to vector<16xi32>
      %add3A_106 = arith.constant 32 : i32
      %add3A_107 = arith.addi %add3A_83, %add3A_106 : i32
      %swap3A_108 = arith.index_cast %add3A_107 : i32 to index
      %swap3A_109 = tpu.vector_load %arg6[%swap3A_108] {strides = array<i32>} : memref<25600xi32, #tpu.memory_space<vmem>>, vector<16xi32>,
      %swap3A_110 = vector.shape_cast %swap3A_109 : vector<16xi32> to vector<16xi32>
      %swap3A_111 = vector.shape_cast %get3A_105 : vector<16xi32> to vector<16xi32>
      tpu.vector_store %arg6[%swap3A_108], %swap3A_111 {strides = array<i32>} : memref<25600xi32, #tpu.memory_space<vmem>>, vector<16xi32>,
      %get3A_112 = arith.index_cast %scan3A_79 : i32 to index
      %get3A_113 = arith.constant 34 : index
      %get3A_114 = tpu.vector_load %arg5[%get3A_112, %get3A_113] {strides = array<i32>} : memref<128x128xi32, #tpu.memory_space<vmem>>, vector<1x16xi32>,
      %get3A_115 = vector.shape_cast %get3A_114 : vector<1x16xi32> to vector<16xi32>
      %add3A_116 = arith.constant 34 : i32
      %add3A_117 = arith.addi %add3A_83, %add3A_116 : i32
      %swap3A_118 = arith.index_cast %add3A_117 : i32 to index
      %swap3A_119 = tpu.vector_load %arg6[%swap3A_118] {strides = array<i32>} : memref<25600xi32, #tpu.memory_space<vmem>>, vector<16xi32>,
      %swap3A_120 = vector.shape_cast %swap3A_119 : vector<16xi32> to vector<16xi32>
      %swap3A_121 = vector.shape_cast %get3A_115 : vector<16xi32> to vector<16xi32>
      tpu.vector_store %arg6[%swap3A_118], %swap3A_121 {strides = array<i32>} : memref<25600xi32, #tpu.memory_space<vmem>>, vector<16xi32>,
    }
    %scan3A_33 = arith.constant 128 : i32
    %dma_start3A = arith.constant 0 : i32
    %dma_start3A_34 = arith.constant 0 : i32
    %dma_start3A_35 = arith.constant 0 : i32
    %dma_start3A_36 = tpu.memref_slice %arg7[%dma_start3A, %dma_start3A_34, %dma_start3A_35] : memref<4x200x64xf32, #tpu.memory_space<vmem>> -> memref<1x200x64xf32, #tpu.memory_space<vmem>>
    %dma_start3A_37 = tpu.memref_squeeze %dma_start3A_36 : memref<1x200x64xf32, #tpu.memory_space<vmem>> -> memref<200x64xf32, #tpu.memory_space<vmem>>
    %dma_start3A_38 = arith.constant 0 : i32
    %dma_start3A_39 = tpu.memref_slice %arg6[%dma_start3A_38] : memref<25600xi32, #tpu.memory_space<vmem>> -> memref<200xi32, #tpu.memory_space<vmem>>
    %dma_start3A_40 = arith.constant 0 : i32
    %dma_start3A_41 = arith.constant 0 : i32
    %dma_start3A_42 = tpu.memref_slice %arg2[%dma_start3A_40, %dma_start3A_41] : memref<1000000x64xf32, #tpu.memory_space<hbm>> -> memref<1000000x64xf32, #tpu.memory_space<hbm>>
    tpu.enqueue_indirect_dma source(%dma_start3A_42 : memref<1000000x64xf32, #tpu.memory_space<hbm>>) target(%dma_start3A_37 : memref<200x64xf32, #tpu.memory_space<vmem>>) offsets(%dma_start3A_39 : memref<200xi32, #tpu.memory_space<vmem>>) semaphore(%arg8 : memref<!tpu.dma_semaphore, #tpu.memory_space<semaphore_mem>>)
    %dma_start3A_43 = arith.constant 1 : i32
    %dma_start3A_44 = arith.constant 0 : i32
    %dma_start3A_45 = arith.constant 0 : i32
    %dma_start3A_46 = tpu.memref_slice %arg7[%dma_start3A_43, %dma_start3A_44, %dma_start3A_45] : memref<4x200x64xf32, #tpu.memory_space<vmem>> -> memref<1x200x64xf32, #tpu.memory_space<vmem>>
    %dma_start3A_47 = tpu.memref_squeeze %dma_start3A_46 : memref<1x200x64xf32, #tpu.memory_space<vmem>> -> memref<200x64xf32, #tpu.memory_space<vmem>>
    %dma_start3A_48 = arith.constant 200 : i32
    %dma_start3A_49 = tpu.memref_slice %arg6[%dma_start3A_48] : memref<25600xi32, #tpu.memory_space<vmem>> -> memref<200xi32, #tpu.memory_space<vmem>>
    %dma_start3A_50 = arith.constant 0 : i32
    %dma_start3A_51 = arith.constant 0 : i32
    %dma_start3A_52 = tpu.memref_slice %arg2[%dma_start3A_50, %dma_start3A_51] : memref<1000000x64xf32, #tpu.memory_space<hbm>> -> memref<1000000x64xf32, #tpu.memory_space<hbm>>
    tpu.enqueue_indirect_dma source(%dma_start3A_52 : memref<1000000x64xf32, #tpu.memory_space<hbm>>) target(%dma_start3A_47 : memref<200x64xf32, #tpu.memory_space<vmem>>) offsets(%dma_start3A_49 : memref<200xi32, #tpu.memory_space<vmem>>) semaphore(%arg9 : memref<!tpu.dma_semaphore, #tpu.memory_space<semaphore_mem>>)
    %dma_start3A_53 = arith.constant 2 : i32
    %dma_start3A_54 = arith.constant 0 : i32
    %dma_start3A_55 = arith.constant 0 : i32
    %dma_start3A_56 = tpu.memref_slice %arg7[%dma_start3A_53, %dma_start3A_54, %dma_start3A_55] : memref<4x200x64xf32, #tpu.memory_space<vmem>> -> memref<1x200x64xf32, #tpu.memory_space<vmem>>
    %dma_start3A_57 = tpu.memref_squeeze %dma_start3A_56 : memref<1x200x64xf32, #tpu.memory_space<vmem>> -> memref<200x64xf32, #tpu.memory_space<vmem>>
    %dma_start3A_58 = arith.constant 400 : i32
    %dma_start3A_59 = tpu.memref_slice %arg6[%dma_start3A_58] : memref<25600xi32, #tpu.memory_space<vmem>> -> memref<200xi32, #tpu.memory_space<vmem>>
    %dma_start3A_60 = arith.constant 0 : i32
    %dma_start3A_61 = arith.constant 0 : i32
    %dma_start3A_62 = tpu.memref_slice %arg2[%dma_start3A_60, %dma_start3A_61] : memref<1000000x64xf32, #tpu.memory_space<hbm>> -> memref<1000000x64xf32, #tpu.memory_space<hbm>>
    tpu.enqueue_indirect_dma source(%dma_start3A_62 : memref<1000000x64xf32, #tpu.memory_space<hbm>>) target(%dma_start3A_57 : memref<200x64xf32, #tpu.memory_space<vmem>>) offsets(%dma_start3A_59 : memref<200xi32, #tpu.memory_space<vmem>>) semaphore(%arg10 : memref<!tpu.dma_semaphore, #tpu.memory_space<semaphore_mem>>)
    %dma_start3A_63 = arith.constant 3 : i32
    %dma_start3A_64 = arith.constant 0 : i32
    %dma_start3A_65 = arith.constant 0 : i32
    %dma_start3A_66 = tpu.memref_slice %arg7[%dma_start3A_63, %dma_start3A_64, %dma_start3A_65] : memref<4x200x64xf32, #tpu.memory_space<vmem>> -> memref<1x200x64xf32, #tpu.memory_space<vmem>>
    %dma_start3A_67 = tpu.memref_squeeze %dma_start3A_66 : memref<1x200x64xf32, #tpu.memory_space<vmem>> -> memref<200x64xf32, #tpu.memory_space<vmem>>
    %dma_start3A_68 = arith.constant 600 : i32
    %dma_start3A_69 = tpu.memref_slice %arg6[%dma_start3A_68] : memref<25600xi32, #tpu.memory_space<vmem>> -> memref<200xi32, #tpu.memory_space<vmem>>
    %dma_start3A_70 = arith.constant 0 : i32
    %dma_start3A_71 = arith.constant 0 : i32
    %dma_start3A_72 = tpu.memref_slice %arg2[%dma_start3A_70, %dma_start3A_71] : memref<1000000x64xf32, #tpu.memory_space<hbm>> -> memref<1000000x64xf32, #tpu.memory_space<hbm>>
    tpu.enqueue_indirect_dma source(%dma_start3A_72 : memref<1000000x64xf32, #tpu.memory_space<hbm>>) target(%dma_start3A_67 : memref<200x64xf32, #tpu.memory_space<vmem>>) offsets(%dma_start3A_69 : memref<200xi32, #tpu.memory_space<vmem>>) semaphore(%arg11 : memref<!tpu.dma_semaphore, #tpu.memory_space<semaphore_mem>>)
    %scan3A_73 = arith.constant 0 : i32
    %scan3A_74 = arith.constant 0 : i32
    %scan3A_75 = arith.constant 32 : i32
    %scan3A_76 = arith.addi %scan3A_74, %scan3A_75 : i32
    %scan3A_77 = arith.constant 1 : i32
    scf.for %scan3A_79 = %scan3A_74 to %scan3A_76 step %scan3A_77  : i32 {
      %mul3A_80 = arith.constant 4 : i32
      %mul3A_81 = arith.muli %scan3A_79, %mul3A_80 : i32
      %add3A_82 = arith.constant 0 : i32
      %add3A_83 = arith.addi %mul3A_81, %add3A_82 : i32
      %mul3A_84 = arith.constant 200 : i32
      %mul3A_85 = arith.muli %add3A_83, %mul3A_84 : i32
      %dma_wait3A = arith.constant 0 : i32
      %dma_wait3A_86 = arith.constant 0 : i32
      %dma_wait3A_87 = arith.constant 0 : i32
      %dma_wait3A_88 = tpu.memref_slice %arg7[%dma_wait3A, %dma_wait3A_86, %dma_wait3A_87] : memref<4x200x64xf32, #tpu.memory_space<vmem>> -> memref<1x200x64xf32, #tpu.memory_space<vmem>>
      %dma_wait3A_89 = tpu.memref_squeeze %dma_wait3A_88 : memref<1x200x64xf32, #tpu.memory_space<vmem>> -> memref<200x64xf32, #tpu.memory_space<vmem>>
      %dma_wait3A_90 = tpu.memref_slice %arg6[%mul3A_85] : memref<25600xi32, #tpu.memory_space<vmem>> -> memref<200xi32, #tpu.memory_space<vmem>>
      %dma_wait3A_91 = arith.constant 0 : i32
      %dma_wait3A_92 = arith.constant 0 : i32
      %dma_wait3A_93 = tpu.memref_slice %arg2[%dma_wait3A_91, %dma_wait3A_92] : memref<1000000x64xf32, #tpu.memory_space<hbm>> -> memref<1000000x64xf32, #tpu.memory_space<hbm>>
      tpu.wait_indirect_dma semaphore(%arg8 : memref<!tpu.dma_semaphore, #tpu.memory_space<semaphore_mem>>) src(%dma_wait3A_93 : memref<1000000x64xf32, #tpu.memory_space<hbm>>) dst(%dma_wait3A_89 : memref<200x64xf32, #tpu.memory_space<vmem>>)
      %add3A_94 = arith.constant 0 : i32
      %add3A_95 = arith.addi %mul3A_81, %add3A_94 : i32
      %mul3A_96 = arith.constant 4 : i32
      %mul3A_97 = arith.muli %add3A_95, %mul3A_96 : i32
      %add3A_98 = arith.addi %mul3A_2, %mul3A_97 : i32
      %add3A_99 = arith.constant 0 : i32
      %add3A_100 = arith.addi %add3A_98, %add3A_99 : i32
      %dma_start3A_101 = arith.constant 0 : i32
      %dma_start3A_102 = arith.constant 0 : i32
      %dma_start3A_103 = arith.constant 0 : i32
      %dma_start3A_104 = tpu.memref_slice %arg7[%dma_start3A_101, %dma_start3A_102, %dma_start3A_103] : memref<4x200x64xf32, #tpu.memory_space<vmem>> -> memref<1x200x64xf32, #tpu.memory_space<vmem>>
      %dma_start3A_105 = tpu.memref_squeeze %dma_start3A_104 : memref<1x200x64xf32, #tpu.memory_space<vmem>> -> memref<200x64xf32, #tpu.memory_space<vmem>>
      %dma_start3A_106 = arith.constant 0 : i32
      %dma_start3A_107 = arith.constant 0 : i32
      %dma_start3A_108 = tpu.memref_slice %dma_start3A_105[%dma_start3A_106, %dma_start3A_107] : memref<200x64xf32, #tpu.memory_space<vmem>> -> memref<50x64xf32, #tpu.memory_space<vmem>>
      %dma_start3A_109 = arith.constant 0 : i32
      %dma_start3A_110 = arith.constant 0 : i32
      %dma_start3A_111 = tpu.memref_slice %arg4[%add3A_100, %dma_start3A_109, %dma_start3A_110] : memref<16384x50x64xf32, #tpu.memory_space<hbm>> -> memref<1x50x64xf32, #tpu.memory_space<hbm>>
      %dma_start3A_112 = tpu.memref_squeeze %dma_start3A_111 : memref<1x50x64xf32, #tpu.memory_space<hbm>> -> memref<50x64xf32, #tpu.memory_space<hbm>>
      %dma_start3A_113 = arith.constant 0 : i32
      %dma_start3A_114 = arith.constant 0 : i32
      %dma_start3A_115 = tpu.memref_slice %arg4[%add3A_100, %dma_start3A_113, %dma_start3A_114] : memref<16384x50x64xf32, #tpu.memory_space<hbm>> -> memref<1x50x64xf32, #tpu.memory_space<hbm>>
      %dma_start3A_116 = tpu.memref_squeeze %dma_start3A_115 : memref<1x50x64xf32, #tpu.memory_space<hbm>> -> memref<50x64xf32, #tpu.memory_space<hbm>>
      %dma_start3A_117 = arith.constant 0 : i32
      %dma_start3A_118 = arith.constant 0 : i32
      %dma_start3A_119 = tpu.memref_slice %arg7[%dma_start3A_101, %dma_start3A_117, %dma_start3A_118] : memref<4x200x64xf32, #tpu.memory_space<vmem>> -> memref<1x200x64xf32, #tpu.memory_space<vmem>>
      %dma_start3A_120 = tpu.memref_squeeze %dma_start3A_119 : memref<1x200x64xf32, #tpu.memory_space<vmem>> -> memref<200x64xf32, #tpu.memory_space<vmem>>
      %dma_start3A_121 = arith.constant 0 : i32
      %dma_start3A_122 = arith.constant 0 : i32
      %dma_start3A_123 = tpu.memref_slice %dma_start3A_120[%dma_start3A_121, %dma_start3A_122] : memref<200x64xf32, #tpu.memory_space<vmem>> -> memref<50x64xf32, #tpu.memory_space<vmem>>
      tpu.enqueue_dma source(%dma_start3A_123 : memref<50x64xf32, #tpu.memory_space<vmem>>) target(%dma_start3A_116 : memref<50x64xf32, #tpu.memory_space<hbm>>) target_semaphore(%arg12 : memref<!tpu.dma_semaphore, #tpu.memory_space<semaphore_mem>>)
      %mul3A_124 = arith.constant 4 : i32
      %mul3A_125 = arith.muli %add3A_95, %mul3A_124 : i32
      %add3A_126 = arith.addi %mul3A_2, %mul3A_125 : i32
      %add3A_127 = arith.constant 1 : i32
      %add3A_128 = arith.addi %add3A_126, %add3A_127 : i32
      %dma_start3A_129 = arith.constant 0 : i32
      %dma_start3A_130 = arith.constant 0 : i32
      %dma_start3A_131 = arith.constant 0 : i32
      %dma_start3A_132 = tpu.memref_slice %arg7[%dma_start3A_129, %dma_start3A_130, %dma_start3A_131] : memref<4x200x64xf32, #tpu.memory_space<vmem>> -> memref<1x200x64xf32, #tpu.memory_space<vmem>>
      %dma_start3A_133 = tpu.memref_squeeze %dma_start3A_132 : memref<1x200x64xf32, #tpu.memory_space<vmem>> -> memref<200x64xf32, #tpu.memory_space<vmem>>
      %dma_start3A_134 = arith.constant 50 : i32
      %dma_start3A_135 = arith.constant 0 : i32
      %dma_start3A_136 = tpu.memref_slice %dma_start3A_133[%dma_start3A_134, %dma_start3A_135] : memref<200x64xf32, #tpu.memory_space<vmem>> -> memref<50x64xf32, #tpu.memory_space<vmem>>
      %dma_start3A_137 = arith.constant 0 : i32
      %dma_start3A_138 = arith.constant 0 : i32
      %dma_start3A_139 = tpu.memref_slice %arg4[%add3A_128, %dma_start3A_137, %dma_start3A_138] : memref<16384x50x64xf32, #tpu.memory_space<hbm>> -> memref<1x50x64xf32, #tpu.memory_space<hbm>>
      %dma_start3A_140 = tpu.memref_squeeze %dma_start3A_139 : memref<1x50x64xf32, #tpu.memory_space<hbm>> -> memref<50x64xf32, #tpu.memory_space<hbm>>
      %dma_start3A_141 = arith.constant 0 : i32
      %dma_start3A_142 = arith.constant 0 : i32
      %dma_start3A_143 = tpu.memref_slice %arg4[%add3A_128, %dma_start3A_141, %dma_start3A_142] : memref<16384x50x64xf32, #tpu.memory_space<hbm>> -> memref<1x50x64xf32, #tpu.memory_space<hbm>>
      %dma_start3A_144 = tpu.memref_squeeze %dma_start3A_143 : memref<1x50x64xf32, #tpu.memory_space<hbm>> -> memref<50x64xf32, #tpu.memory_space<hbm>>
      %dma_start3A_145 = arith.constant 0 : i32
      %dma_start3A_146 = arith.constant 0 : i32
      %dma_start3A_147 = tpu.memref_slice %arg7[%dma_start3A_129, %dma_start3A_145, %dma_start3A_146] : memref<4x200x64xf32, #tpu.memory_space<vmem>> -> memref<1x200x64xf32, #tpu.memory_space<vmem>>
      %dma_start3A_148 = tpu.memref_squeeze %dma_start3A_147 : memref<1x200x64xf32, #tpu.memory_space<vmem>> -> memref<200x64xf32, #tpu.memory_space<vmem>>
      %dma_start3A_149 = arith.constant 50 : i32
      %dma_start3A_150 = arith.constant 0 : i32
      %dma_start3A_151 = tpu.memref_slice %dma_start3A_148[%dma_start3A_149, %dma_start3A_150] : memref<200x64xf32, #tpu.memory_space<vmem>> -> memref<50x64xf32, #tpu.memory_space<vmem>>
      tpu.enqueue_dma source(%dma_start3A_151 : memref<50x64xf32, #tpu.memory_space<vmem>>) target(%dma_start3A_144 : memref<50x64xf32, #tpu.memory_space<hbm>>) target_semaphore(%arg12 : memref<!tpu.dma_semaphore, #tpu.memory_space<semaphore_mem>>)
      %mul3A_152 = arith.constant 4 : i32
      %mul3A_153 = arith.muli %add3A_95, %mul3A_152 : i32
      %add3A_154 = arith.addi %mul3A_2, %mul3A_153 : i32
      %add3A_155 = arith.constant 2 : i32
      %add3A_156 = arith.addi %add3A_154, %add3A_155 : i32
      %dma_start3A_157 = arith.constant 0 : i32
      %dma_start3A_158 = arith.constant 0 : i32
      %dma_start3A_159 = arith.constant 0 : i32
      %dma_start3A_160 = tpu.memref_slice %arg7[%dma_start3A_157, %dma_start3A_158, %dma_start3A_159] : memref<4x200x64xf32, #tpu.memory_space<vmem>> -> memref<1x200x64xf32, #tpu.memory_space<vmem>>
      %dma_start3A_161 = tpu.memref_squeeze %dma_start3A_160 : memref<1x200x64xf32, #tpu.memory_space<vmem>> -> memref<200x64xf32, #tpu.memory_space<vmem>>
      %dma_start3A_162 = arith.constant 100 : i32
      %dma_start3A_163 = arith.constant 0 : i32
      %dma_start3A_164 = tpu.memref_slice %dma_start3A_161[%dma_start3A_162, %dma_start3A_163] : memref<200x64xf32, #tpu.memory_space<vmem>> -> memref<50x64xf32, #tpu.memory_space<vmem>>
      %dma_start3A_165 = arith.constant 0 : i32
      %dma_start3A_166 = arith.constant 0 : i32
      %dma_start3A_167 = tpu.memref_slice %arg4[%add3A_156, %dma_start3A_165, %dma_start3A_166] : memref<16384x50x64xf32, #tpu.memory_space<hbm>> -> memref<1x50x64xf32, #tpu.memory_space<hbm>>
      %dma_start3A_168 = tpu.memref_squeeze %dma_start3A_167 : memref<1x50x64xf32, #tpu.memory_space<hbm>> -> memref<50x64xf32, #tpu.memory_space<hbm>>
      %dma_start3A_169 = arith.constant 0 : i32
      %dma_start3A_170 = arith.constant 0 : i32
      %dma_start3A_171 = tpu.memref_slice %arg4[%add3A_156, %dma_start3A_169, %dma_start3A_170] : memref<16384x50x64xf32, #tpu.memory_space<hbm>> -> memref<1x50x64xf32, #tpu.memory_space<hbm>>
      %dma_start3A_172 = tpu.memref_squeeze %dma_start3A_171 : memref<1x50x64xf32, #tpu.memory_space<hbm>> -> memref<50x64xf32, #tpu.memory_space<hbm>>
      %dma_start3A_173 = arith.constant 0 : i32
      %dma_start3A_174 = arith.constant 0 : i32
      %dma_start3A_175 = tpu.memref_slice %arg7[%dma_start3A_157, %dma_start3A_173, %dma_start3A_174] : memref<4x200x64xf32, #tpu.memory_space<vmem>> -> memref<1x200x64xf32, #tpu.memory_space<vmem>>
      %dma_start3A_176 = tpu.memref_squeeze %dma_start3A_175 : memref<1x200x64xf32, #tpu.memory_space<vmem>> -> memref<200x64xf32, #tpu.memory_space<vmem>>
      %dma_start3A_177 = arith.constant 100 : i32
      %dma_start3A_178 = arith.constant 0 : i32
      %dma_start3A_179 = tpu.memref_slice %dma_start3A_176[%dma_start3A_177, %dma_start3A_178] : memref<200x64xf32, #tpu.memory_space<vmem>> -> memref<50x64xf32, #tpu.memory_space<vmem>>
      tpu.enqueue_dma source(%dma_start3A_179 : memref<50x64xf32, #tpu.memory_space<vmem>>) target(%dma_start3A_172 : memref<50x64xf32, #tpu.memory_space<hbm>>) target_semaphore(%arg12 : memref<!tpu.dma_semaphore, #tpu.memory_space<semaphore_mem>>)
      %mul3A_180 = arith.constant 4 : i32
      %mul3A_181 = arith.muli %add3A_95, %mul3A_180 : i32
      %add3A_182 = arith.addi %mul3A_2, %mul3A_181 : i32
      %add3A_183 = arith.constant 3 : i32
      %add3A_184 = arith.addi %add3A_182, %add3A_183 : i32
      %dma_start3A_185 = arith.constant 0 : i32
      %dma_start3A_186 = arith.constant 0 : i32
      %dma_start3A_187 = arith.constant 0 : i32
      %dma_start3A_188 = tpu.memref_slice %arg7[%dma_start3A_185, %dma_start3A_186, %dma_start3A_187] : memref<4x200x64xf32, #tpu.memory_space<vmem>> -> memref<1x200x64xf32, #tpu.memory_space<vmem>>
      %dma_start3A_189 = tpu.memref_squeeze %dma_start3A_188 : memref<1x200x64xf32, #tpu.memory_space<vmem>> -> memref<200x64xf32, #tpu.memory_space<vmem>>
      %dma_start3A_190 = arith.constant 150 : i32
      %dma_start3A_191 = arith.constant 0 : i32
      %dma_start3A_192 = tpu.memref_slice %dma_start3A_189[%dma_start3A_190, %dma_start3A_191] : memref<200x64xf32, #tpu.memory_space<vmem>> -> memref<50x64xf32, #tpu.memory_space<vmem>>
      %dma_start3A_193 = arith.constant 0 : i32
      %dma_start3A_194 = arith.constant 0 : i32
      %dma_start3A_195 = tpu.memref_slice %arg4[%add3A_184, %dma_start3A_193, %dma_start3A_194] : memref<16384x50x64xf32, #tpu.memory_space<hbm>> -> memref<1x50x64xf32, #tpu.memory_space<hbm>>
      %dma_start3A_196 = tpu.memref_squeeze %dma_start3A_195 : memref<1x50x64xf32, #tpu.memory_space<hbm>> -> memref<50x64xf32, #tpu.memory_space<hbm>>
      %dma_start3A_197 = arith.constant 0 : i32
      %dma_start3A_198 = arith.constant 0 : i32
      %dma_start3A_199 = tpu.memref_slice %arg4[%add3A_184, %dma_start3A_197, %dma_start3A_198] : memref<16384x50x64xf32, #tpu.memory_space<hbm>> -> memref<1x50x64xf32, #tpu.memory_space<hbm>>
      %dma_start3A_200 = tpu.memref_squeeze %dma_start3A_199 : memref<1x50x64xf32, #tpu.memory_space<hbm>> -> memref<50x64xf32, #tpu.memory_space<hbm>>
      %dma_start3A_201 = arith.constant 0 : i32
      %dma_start3A_202 = arith.constant 0 : i32
      %dma_start3A_203 = tpu.memref_slice %arg7[%dma_start3A_185, %dma_start3A_201, %dma_start3A_202] : memref<4x200x64xf32, #tpu.memory_space<vmem>> -> memref<1x200x64xf32, #tpu.memory_space<vmem>>
      %dma_start3A_204 = tpu.memref_squeeze %dma_start3A_203 : memref<1x200x64xf32, #tpu.memory_space<vmem>> -> memref<200x64xf32, #tpu.memory_space<vmem>>
      %dma_start3A_205 = arith.constant 150 : i32
      %dma_start3A_206 = arith.constant 0 : i32
      %dma_start3A_207 = tpu.memref_slice %dma_start3A_204[%dma_start3A_205, %dma_start3A_206] : memref<200x64xf32, #tpu.memory_space<vmem>> -> memref<50x64xf32, #tpu.memory_space<vmem>>
      tpu.enqueue_dma source(%dma_start3A_207 : memref<50x64xf32, #tpu.memory_space<vmem>>) target(%dma_start3A_200 : memref<50x64xf32, #tpu.memory_space<hbm>>) target_semaphore(%arg12 : memref<!tpu.dma_semaphore, #tpu.memory_space<semaphore_mem>>)
      %add3A_208 = arith.constant 1 : i32
      %add3A_209 = arith.addi %mul3A_81, %add3A_208 : i32
      %mul3A_210 = arith.constant 200 : i32
      %mul3A_211 = arith.muli %add3A_209, %mul3A_210 : i32
      %dma_wait3A_212 = arith.constant 1 : i32
      %dma_wait3A_213 = arith.constant 0 : i32
      %dma_wait3A_214 = arith.constant 0 : i32
      %dma_wait3A_215 = tpu.memref_slice %arg7[%dma_wait3A_212, %dma_wait3A_213, %dma_wait3A_214] : memref<4x200x64xf32, #tpu.memory_space<vmem>> -> memref<1x200x64xf32, #tpu.memory_space<vmem>>
      %dma_wait3A_216 = tpu.memref_squeeze %dma_wait3A_215 : memref<1x200x64xf32, #tpu.memory_space<vmem>> -> memref<200x64xf32, #tpu.memory_space<vmem>>
      %dma_wait3A_217 = tpu.memref_slice %arg6[%mul3A_211] : memref<25600xi32, #tpu.memory_space<vmem>> -> memref<200xi32, #tpu.memory_space<vmem>>
      %dma_wait3A_218 = arith.constant 0 : i32
      %dma_wait3A_219 = arith.constant 0 : i32
      %dma_wait3A_220 = tpu.memref_slice %arg2[%dma_wait3A_218, %dma_wait3A_219] : memref<1000000x64xf32, #tpu.memory_space<hbm>> -> memref<1000000x64xf32, #tpu.memory_space<hbm>>
      tpu.wait_indirect_dma semaphore(%arg9 : memref<!tpu.dma_semaphore, #tpu.memory_space<semaphore_mem>>) src(%dma_wait3A_220 : memref<1000000x64xf32, #tpu.memory_space<hbm>>) dst(%dma_wait3A_216 : memref<200x64xf32, #tpu.memory_space<vmem>>)
      %add3A_221 = arith.constant 1 : i32
      %add3A_222 = arith.addi %mul3A_81, %add3A_221 : i32
      %mul3A_223 = arith.constant 4 : i32
      %mul3A_224 = arith.muli %add3A_222, %mul3A_223 : i32
      %add3A_225 = arith.addi %mul3A_2, %mul3A_224 : i32
      %add3A_226 = arith.constant 0 : i32
      %add3A_227 = arith.addi %add3A_225, %add3A_226 : i32
      %dma_start3A_228 = arith.constant 1 : i32
      %dma_start3A_229 = arith.constant 0 : i32
      %dma_start3A_230 = arith.constant 0 : i32
      %dma_start3A_231 = tpu.memref_slice %arg7[%dma_start3A_228, %dma_start3A_229, %dma_start3A_230] : memref<4x200x64xf32, #tpu.memory_space<vmem>> -> memref<1x200x64xf32, #tpu.memory_space<vmem>>
      %dma_start3A_232 = tpu.memref_squeeze %dma_start3A_231 : memref<1x200x64xf32, #tpu.memory_space<vmem>> -> memref<200x64xf32, #tpu.memory_space<vmem>>
      %dma_start3A_233 = arith.constant 0 : i32
      %dma_start3A_234 = arith.constant 0 : i32
      %dma_start3A_235 = tpu.memref_slice %dma_start3A_232[%dma_start3A_233, %dma_start3A_234] : memref<200x64xf32, #tpu.memory_space<vmem>> -> memref<50x64xf32, #tpu.memory_space<vmem>>
      %dma_start3A_236 = arith.constant 0 : i32
      %dma_start3A_237 = arith.constant 0 : i32
      %dma_start3A_238 = tpu.memref_slice %arg4[%add3A_227, %dma_start3A_236, %dma_start3A_237] : memref<16384x50x64xf32, #tpu.memory_space<hbm>> -> memref<1x50x64xf32, #tpu.memory_space<hbm>>
      %dma_start3A_239 = tpu.memref_squeeze %dma_start3A_238 : memref<1x50x64xf32, #tpu.memory_space<hbm>> -> memref<50x64xf32, #tpu.memory_space<hbm>>
      %dma_start3A_240 = arith.constant 0 : i32
      %dma_start3A_241 = arith.constant 0 : i32
      %dma_start3A_242 = tpu.memref_slice %arg4[%add3A_227, %dma_start3A_240, %dma_start3A_241] : memref<16384x50x64xf32, #tpu.memory_space<hbm>> -> memref<1x50x64xf32, #tpu.memory_space<hbm>>
      %dma_start3A_243 = tpu.memref_squeeze %dma_start3A_242 : memref<1x50x64xf32, #tpu.memory_space<hbm>> -> memref<50x64xf32, #tpu.memory_space<hbm>>
      %dma_start3A_244 = arith.constant 0 : i32
      %dma_start3A_245 = arith.constant 0 : i32
      %dma_start3A_246 = tpu.memref_slice %arg7[%dma_start3A_228, %dma_start3A_244, %dma_start3A_245] : memref<4x200x64xf32, #tpu.memory_space<vmem>> -> memref<1x200x64xf32, #tpu.memory_space<vmem>>
      %dma_start3A_247 = tpu.memref_squeeze %dma_start3A_246 : memref<1x200x64xf32, #tpu.memory_space<vmem>> -> memref<200x64xf32, #tpu.memory_space<vmem>>
      %dma_start3A_248 = arith.constant 0 : i32
      %dma_start3A_249 = arith.constant 0 : i32
      %dma_start3A_250 = tpu.memref_slice %dma_start3A_247[%dma_start3A_248, %dma_start3A_249] : memref<200x64xf32, #tpu.memory_space<vmem>> -> memref<50x64xf32, #tpu.memory_space<vmem>>
      tpu.enqueue_dma source(%dma_start3A_250 : memref<50x64xf32, #tpu.memory_space<vmem>>) target(%dma_start3A_243 : memref<50x64xf32, #tpu.memory_space<hbm>>) target_semaphore(%arg13 : memref<!tpu.dma_semaphore, #tpu.memory_space<semaphore_mem>>)
      %mul3A_251 = arith.constant 4 : i32
      %mul3A_252 = arith.muli %add3A_222, %mul3A_251 : i32
      %add3A_253 = arith.addi %mul3A_2, %mul3A_252 : i32
      %add3A_254 = arith.constant 1 : i32
      %add3A_255 = arith.addi %add3A_253, %add3A_254 : i32
      %dma_start3A_256 = arith.constant 1 : i32
      %dma_start3A_257 = arith.constant 0 : i32
      %dma_start3A_258 = arith.constant 0 : i32
      %dma_start3A_259 = tpu.memref_slice %arg7[%dma_start3A_256, %dma_start3A_257, %dma_start3A_258] : memref<4x200x64xf32, #tpu.memory_space<vmem>> -> memref<1x200x64xf32, #tpu.memory_space<vmem>>
      %dma_start3A_260 = tpu.memref_squeeze %dma_start3A_259 : memref<1x200x64xf32, #tpu.memory_space<vmem>> -> memref<200x64xf32, #tpu.memory_space<vmem>>
      %dma_start3A_261 = arith.constant 50 : i32
      %dma_start3A_262 = arith.constant 0 : i32
      %dma_start3A_263 = tpu.memref_slice %dma_start3A_260[%dma_start3A_261, %dma_start3A_262] : memref<200x64xf32, #tpu.memory_space<vmem>> -> memref<50x64xf32, #tpu.memory_space<vmem>>
      %dma_start3A_264 = arith.constant 0 : i32
      %dma_start3A_265 = arith.constant 0 : i32
      %dma_start3A_266 = tpu.memref_slice %arg4[%add3A_255, %dma_start3A_264, %dma_start3A_265] : memref<16384x50x64xf32, #tpu.memory_space<hbm>> -> memref<1x50x64xf32, #tpu.memory_space<hbm>>
      %dma_start3A_267 = tpu.memref_squeeze %dma_start3A_266 : memref<1x50x64xf32, #tpu.memory_space<hbm>> -> memref<50x64xf32, #tpu.memory_space<hbm>>
      %dma_start3A_268 = arith.constant 0 : i32
      %dma_start3A_269 = arith.constant 0 : i32
      %dma_start3A_270 = tpu.memref_slice %arg4[%add3A_255, %dma_start3A_268, %dma_start3A_269] : memref<16384x50x64xf32, #tpu.memory_space<hbm>> -> memref<1x50x64xf32, #tpu.memory_space<hbm>>
      %dma_start3A_271 = tpu.memref_squeeze %dma_start3A_270 : memref<1x50x64xf32, #tpu.memory_space<hbm>> -> memref<50x64xf32, #tpu.memory_space<hbm>>
      %dma_start3A_272 = arith.constant 0 : i32
      %dma_start3A_273 = arith.constant 0 : i32
      %dma_start3A_274 = tpu.memref_slice %arg7[%dma_start3A_256, %dma_start3A_272, %dma_start3A_273] : memref<4x200x64xf32, #tpu.memory_space<vmem>> -> memref<1x200x64xf32, #tpu.memory_space<vmem>>
      %dma_start3A_275 = tpu.memref_squeeze %dma_start3A_274 : memref<1x200x64xf32, #tpu.memory_space<vmem>> -> memref<200x64xf32, #tpu.memory_space<vmem>>
      %dma_start3A_276 = arith.constant 50 : i32
      %dma_start3A_277 = arith.constant 0 : i32
      %dma_start3A_278 = tpu.memref_slice %dma_start3A_275[%dma_start3A_276, %dma_start3A_277] : memref<200x64xf32, #tpu.memory_space<vmem>> -> memref<50x64xf32, #tpu.memory_space<vmem>>
      tpu.enqueue_dma source(%dma_start3A_278 : memref<50x64xf32, #tpu.memory_space<vmem>>) target(%dma_start3A_271 : memref<50x64xf32, #tpu.memory_space<hbm>>) target_semaphore(%arg13 : memref<!tpu.dma_semaphore, #tpu.memory_space<semaphore_mem>>)
      %mul3A_279 = arith.constant 4 : i32
      %mul3A_280 = arith.muli %add3A_222, %mul3A_279 : i32
      %add3A_281 = arith.addi %mul3A_2, %mul3A_280 : i32
      %add3A_282 = arith.constant 2 : i32
      %add3A_283 = arith.addi %add3A_281, %add3A_282 : i32
      %dma_start3A_284 = arith.constant 1 : i32
      %dma_start3A_285 = arith.constant 0 : i32
      %dma_start3A_286 = arith.constant 0 : i32
      %dma_start3A_287 = tpu.memref_slice %arg7[%dma_start3A_284, %dma_start3A_285, %dma_start3A_286] : memref<4x200x64xf32, #tpu.memory_space<vmem>> -> memref<1x200x64xf32, #tpu.memory_space<vmem>>
      %dma_start3A_288 = tpu.memref_squeeze %dma_start3A_287 : memref<1x200x64xf32, #tpu.memory_space<vmem>> -> memref<200x64xf32, #tpu.memory_space<vmem>>
      %dma_start3A_289 = arith.constant 100 : i32
      %dma_start3A_290 = arith.constant 0 : i32
      %dma_start3A_291 = tpu.memref_slice %dma_start3A_288[%dma_start3A_289, %dma_start3A_290] : memref<200x64xf32, #tpu.memory_space<vmem>> -> memref<50x64xf32, #tpu.memory_space<vmem>>
      %dma_start3A_292 = arith.constant 0 : i32
      %dma_start3A_293 = arith.constant 0 : i32
      %dma_start3A_294 = tpu.memref_slice %arg4[%add3A_283, %dma_start3A_292, %dma_start3A_293] : memref<16384x50x64xf32, #tpu.memory_space<hbm>> -> memref<1x50x64xf32, #tpu.memory_space<hbm>>
      %dma_start3A_295 = tpu.memref_squeeze %dma_start3A_294 : memref<1x50x64xf32, #tpu.memory_space<hbm>> -> memref<50x64xf32, #tpu.memory_space<hbm>>
      %dma_start3A_296 = arith.constant 0 : i32
      %dma_start3A_297 = arith.constant 0 : i32
      %dma_start3A_298 = tpu.memref_slice %arg4[%add3A_283, %dma_start3A_296, %dma_start3A_297] : memref<16384x50x64xf32, #tpu.memory_space<hbm>> -> memref<1x50x64xf32, #tpu.memory_space<hbm>>
      %dma_start3A_299 = tpu.memref_squeeze %dma_start3A_298 : memref<1x50x64xf32, #tpu.memory_space<hbm>> -> memref<50x64xf32, #tpu.memory_space<hbm>>
      %dma_start3A_300 = arith.constant 0 : i32
      %dma_start3A_301 = arith.constant 0 : i32
      %dma_start3A_302 = tpu.memref_slice %arg7[%dma_start3A_284, %dma_start3A_300, %dma_start3A_301] : memref<4x200x64xf32, #tpu.memory_space<vmem>> -> memref<1x200x64xf32, #tpu.memory_space<vmem>>
      %dma_start3A_303 = tpu.memref_squeeze %dma_start3A_302 : memref<1x200x64xf32, #tpu.memory_space<vmem>> -> memref<200x64xf32, #tpu.memory_space<vmem>>
      %dma_start3A_304 = arith.constant 100 : i32
      %dma_start3A_305 = arith.constant 0 : i32
      %dma_start3A_306 = tpu.memref_slice %dma_start3A_303[%dma_start3A_304, %dma_start3A_305] : memref<200x64xf32, #tpu.memory_space<vmem>> -> memref<50x64xf32, #tpu.memory_space<vmem>>
      tpu.enqueue_dma source(%dma_start3A_306 : memref<50x64xf32, #tpu.memory_space<vmem>>) target(%dma_start3A_299 : memref<50x64xf32, #tpu.memory_space<hbm>>) target_semaphore(%arg13 : memref<!tpu.dma_semaphore, #tpu.memory_space<semaphore_mem>>)
      %mul3A_307 = arith.constant 4 : i32
      %mul3A_308 = arith.muli %add3A_222, %mul3A_307 : i32
      %add3A_309 = arith.addi %mul3A_2, %mul3A_308 : i32
      %add3A_310 = arith.constant 3 : i32
      %add3A_311 = arith.addi %add3A_309, %add3A_310 : i32
      %dma_start3A_312 = arith.constant 1 : i32
      %dma_start3A_313 = arith.constant 0 : i32
      %dma_start3A_314 = arith.constant 0 : i32
      %dma_start3A_315 = tpu.memref_slice %arg7[%dma_start3A_312, %dma_start3A_313, %dma_start3A_314] : memref<4x200x64xf32, #tpu.memory_space<vmem>> -> memref<1x200x64xf32, #tpu.memory_space<vmem>>
      %dma_start3A_316 = tpu.memref_squeeze %dma_start3A_315 : memref<1x200x64xf32, #tpu.memory_space<vmem>> -> memref<200x64xf32, #tpu.memory_space<vmem>>
      %dma_start3A_317 = arith.constant 150 : i32
      %dma_start3A_318 = arith.constant 0 : i32
      %dma_start3A_319 = tpu.memref_slice %dma_start3A_316[%dma_start3A_317, %dma_start3A_318] : memref<200x64xf32, #tpu.memory_space<vmem>> -> memref<50x64xf32, #tpu.memory_space<vmem>>
      %dma_start3A_320 = arith.constant 0 : i32
      %dma_start3A_321 = arith.constant 0 : i32
      %dma_start3A_322 = tpu.memref_slice %arg4[%add3A_311, %dma_start3A_320, %dma_start3A_321] : memref<16384x50x64xf32, #tpu.memory_space<hbm>> -> memref<1x50x64xf32, #tpu.memory_space<hbm>>
      %dma_start3A_323 = tpu.memref_squeeze %dma_start3A_322 : memref<1x50x64xf32, #tpu.memory_space<hbm>> -> memref<50x64xf32, #tpu.memory_space<hbm>>
      %dma_start3A_324 = arith.constant 0 : i32
      %dma_start3A_325 = arith.constant 0 : i32
      %dma_start3A_326 = tpu.memref_slice %arg4[%add3A_311, %dma_start3A_324, %dma_start3A_325] : memref<16384x50x64xf32, #tpu.memory_space<hbm>> -> memref<1x50x64xf32, #tpu.memory_space<hbm>>
      %dma_start3A_327 = tpu.memref_squeeze %dma_start3A_326 : memref<1x50x64xf32, #tpu.memory_space<hbm>> -> memref<50x64xf32, #tpu.memory_space<hbm>>
      %dma_start3A_328 = arith.constant 0 : i32
      %dma_start3A_329 = arith.constant 0 : i32
      %dma_start3A_330 = tpu.memref_slice %arg7[%dma_start3A_312, %dma_start3A_328, %dma_start3A_329] : memref<4x200x64xf32, #tpu.memory_space<vmem>> -> memref<1x200x64xf32, #tpu.memory_space<vmem>>
      %dma_start3A_331 = tpu.memref_squeeze %dma_start3A_330 : memref<1x200x64xf32, #tpu.memory_space<vmem>> -> memref<200x64xf32, #tpu.memory_space<vmem>>
      %dma_start3A_332 = arith.constant 150 : i32
      %dma_start3A_333 = arith.constant 0 : i32
      %dma_start3A_334 = tpu.memref_slice %dma_start3A_331[%dma_start3A_332, %dma_start3A_333] : memref<200x64xf32, #tpu.memory_space<vmem>> -> memref<50x64xf32, #tpu.memory_space<vmem>>
      tpu.enqueue_dma source(%dma_start3A_334 : memref<50x64xf32, #tpu.memory_space<vmem>>) target(%dma_start3A_327 : memref<50x64xf32, #tpu.memory_space<hbm>>) target_semaphore(%arg13 : memref<!tpu.dma_semaphore, #tpu.memory_space<semaphore_mem>>)
      %add3A_335 = arith.constant 2 : i32
      %add3A_336 = arith.addi %mul3A_81, %add3A_335 : i32
      %mul3A_337 = arith.constant 200 : i32
      %mul3A_338 = arith.muli %add3A_336, %mul3A_337 : i32
      %dma_wait3A_339 = arith.constant 2 : i32
      %dma_wait3A_340 = arith.constant 0 : i32
      %dma_wait3A_341 = arith.constant 0 : i32
      %dma_wait3A_342 = tpu.memref_slice %arg7[%dma_wait3A_339, %dma_wait3A_340, %dma_wait3A_341] : memref<4x200x64xf32, #tpu.memory_space<vmem>> -> memref<1x200x64xf32, #tpu.memory_space<vmem>>
      %dma_wait3A_343 = tpu.memref_squeeze %dma_wait3A_342 : memref<1x200x64xf32, #tpu.memory_space<vmem>> -> memref<200x64xf32, #tpu.memory_space<vmem>>
      %dma_wait3A_344 = tpu.memref_slice %arg6[%mul3A_338] : memref<25600xi32, #tpu.memory_space<vmem>> -> memref<200xi32, #tpu.memory_space<vmem>>
      %dma_wait3A_345 = arith.constant 0 : i32
      %dma_wait3A_346 = arith.constant 0 : i32
      %dma_wait3A_347 = tpu.memref_slice %arg2[%dma_wait3A_345, %dma_wait3A_346] : memref<1000000x64xf32, #tpu.memory_space<hbm>> -> memref<1000000x64xf32, #tpu.memory_space<hbm>>
      tpu.wait_indirect_dma semaphore(%arg10 : memref<!tpu.dma_semaphore, #tpu.memory_space<semaphore_mem>>) src(%dma_wait3A_347 : memref<1000000x64xf32, #tpu.memory_space<hbm>>) dst(%dma_wait3A_343 : memref<200x64xf32, #tpu.memory_space<vmem>>)
      %add3A_348 = arith.constant 2 : i32
      %add3A_349 = arith.addi %mul3A_81, %add3A_348 : i32
      %mul3A_350 = arith.constant 4 : i32
      %mul3A_351 = arith.muli %add3A_349, %mul3A_350 : i32
      %add3A_352 = arith.addi %mul3A_2, %mul3A_351 : i32
      %add3A_353 = arith.constant 0 : i32
      %add3A_354 = arith.addi %add3A_352, %add3A_353 : i32
      %dma_start3A_355 = arith.constant 2 : i32
      %dma_start3A_356 = arith.constant 0 : i32
      %dma_start3A_357 = arith.constant 0 : i32
      %dma_start3A_358 = tpu.memref_slice %arg7[%dma_start3A_355, %dma_start3A_356, %dma_start3A_357] : memref<4x200x64xf32, #tpu.memory_space<vmem>> -> memref<1x200x64xf32, #tpu.memory_space<vmem>>
      %dma_start3A_359 = tpu.memref_squeeze %dma_start3A_358 : memref<1x200x64xf32, #tpu.memory_space<vmem>> -> memref<200x64xf32, #tpu.memory_space<vmem>>
      %dma_start3A_360 = arith.constant 0 : i32
      %dma_start3A_361 = arith.constant 0 : i32
      %dma_start3A_362 = tpu.memref_slice %dma_start3A_359[%dma_start3A_360, %dma_start3A_361] : memref<200x64xf32, #tpu.memory_space<vmem>> -> memref<50x64xf32, #tpu.memory_space<vmem>>
      %dma_start3A_363 = arith.constant 0 : i32
      %dma_start3A_364 = arith.constant 0 : i32
      %dma_start3A_365 = tpu.memref_slice %arg4[%add3A_354, %dma_start3A_363, %dma_start3A_364] : memref<16384x50x64xf32, #tpu.memory_space<hbm>> -> memref<1x50x64xf32, #tpu.memory_space<hbm>>
      %dma_start3A_366 = tpu.memref_squeeze %dma_start3A_365 : memref<1x50x64xf32, #tpu.memory_space<hbm>> -> memref<50x64xf32, #tpu.memory_space<hbm>>
      %dma_start3A_367 = arith.constant 0 : i32
      %dma_start3A_368 = arith.constant 0 : i32
      %dma_start3A_369 = tpu.memref_slice %arg4[%add3A_354, %dma_start3A_367, %dma_start3A_368] : memref<16384x50x64xf32, #tpu.memory_space<hbm>> -> memref<1x50x64xf32, #tpu.memory_space<hbm>>
      %dma_start3A_370 = tpu.memref_squeeze %dma_start3A_369 : memref<1x50x64xf32, #tpu.memory_space<hbm>> -> memref<50x64xf32, #tpu.memory_space<hbm>>
      %dma_start3A_371 = arith.constant 0 : i32
      %dma_start3A_372 = arith.constant 0 : i32
      %dma_start3A_373 = tpu.memref_slice %arg7[%dma_start3A_355, %dma_start3A_371, %dma_start3A_372] : memref<4x200x64xf32, #tpu.memory_space<vmem>> -> memref<1x200x64xf32, #tpu.memory_space<vmem>>
      %dma_start3A_374 = tpu.memref_squeeze %dma_start3A_373 : memref<1x200x64xf32, #tpu.memory_space<vmem>> -> memref<200x64xf32, #tpu.memory_space<vmem>>
      %dma_start3A_375 = arith.constant 0 : i32
      %dma_start3A_376 = arith.constant 0 : i32
      %dma_start3A_377 = tpu.memref_slice %dma_start3A_374[%dma_start3A_375, %dma_start3A_376] : memref<200x64xf32, #tpu.memory_space<vmem>> -> memref<50x64xf32, #tpu.memory_space<vmem>>
      tpu.enqueue_dma source(%dma_start3A_377 : memref<50x64xf32, #tpu.memory_space<vmem>>) target(%dma_start3A_370 : memref<50x64xf32, #tpu.memory_space<hbm>>) target_semaphore(%arg14 : memref<!tpu.dma_semaphore, #tpu.memory_space<semaphore_mem>>)
      %mul3A_378 = arith.constant 4 : i32
      %mul3A_379 = arith.muli %add3A_349, %mul3A_378 : i32
      %add3A_380 = arith.addi %mul3A_2, %mul3A_379 : i32
      %add3A_381 = arith.constant 1 : i32
      %add3A_382 = arith.addi %add3A_380, %add3A_381 : i32
      %dma_start3A_383 = arith.constant 2 : i32
      %dma_start3A_384 = arith.constant 0 : i32
      %dma_start3A_385 = arith.constant 0 : i32
      %dma_start3A_386 = tpu.memref_slice %arg7[%dma_start3A_383, %dma_start3A_384, %dma_start3A_385] : memref<4x200x64xf32, #tpu.memory_space<vmem>> -> memref<1x200x64xf32, #tpu.memory_space<vmem>>
      %dma_start3A_387 = tpu.memref_squeeze %dma_start3A_386 : memref<1x200x64xf32, #tpu.memory_space<vmem>> -> memref<200x64xf32, #tpu.memory_space<vmem>>
      %dma_start3A_388 = arith.constant 50 : i32
      %dma_start3A_389 = arith.constant 0 : i32
      %dma_start3A_390 = tpu.memref_slice %dma_start3A_387[%dma_start3A_388, %dma_start3A_389] : memref<200x64xf32, #tpu.memory_space<vmem>> -> memref<50x64xf32, #tpu.memory_space<vmem>>
      %dma_start3A_391 = arith.constant 0 : i32
      %dma_start3A_392 = arith.constant 0 : i32
      %dma_start3A_393 = tpu.memref_slice %arg4[%add3A_382, %dma_start3A_391, %dma_start3A_392] : memref<16384x50x64xf32, #tpu.memory_space<hbm>> -> memref<1x50x64xf32, #tpu.memory_space<hbm>>
      %dma_start3A_394 = tpu.memref_squeeze %dma_start3A_393 : memref<1x50x64xf32, #tpu.memory_space<hbm>> -> memref<50x64xf32, #tpu.memory_space<hbm>>
      %dma_start3A_395 = arith.constant 0 : i32
      %dma_start3A_396 = arith.constant 0 : i32
      %dma_start3A_397 = tpu.memref_slice %arg4[%add3A_382, %dma_start3A_395, %dma_start3A_396] : memref<16384x50x64xf32, #tpu.memory_space<hbm>> -> memref<1x50x64xf32, #tpu.memory_space<hbm>>
      %dma_start3A_398 = tpu.memref_squeeze %dma_start3A_397 : memref<1x50x64xf32, #tpu.memory_space<hbm>> -> memref<50x64xf32, #tpu.memory_space<hbm>>
      %dma_start3A_399 = arith.constant 0 : i32
      %dma_start3A_400 = arith.constant 0 : i32
      %dma_start3A_401 = tpu.memref_slice %arg7[%dma_start3A_383, %dma_start3A_399, %dma_start3A_400] : memref<4x200x64xf32, #tpu.memory_space<vmem>> -> memref<1x200x64xf32, #tpu.memory_space<vmem>>
      %dma_start3A_402 = tpu.memref_squeeze %dma_start3A_401 : memref<1x200x64xf32, #tpu.memory_space<vmem>> -> memref<200x64xf32, #tpu.memory_space<vmem>>
      %dma_start3A_403 = arith.constant 50 : i32
      %dma_start3A_404 = arith.constant 0 : i32
      %dma_start3A_405 = tpu.memref_slice %dma_start3A_402[%dma_start3A_403, %dma_start3A_404] : memref<200x64xf32, #tpu.memory_space<vmem>> -> memref<50x64xf32, #tpu.memory_space<vmem>>
      tpu.enqueue_dma source(%dma_start3A_405 : memref<50x64xf32, #tpu.memory_space<vmem>>) target(%dma_start3A_398 : memref<50x64xf32, #tpu.memory_space<hbm>>) target_semaphore(%arg14 : memref<!tpu.dma_semaphore, #tpu.memory_space<semaphore_mem>>)
      %mul3A_406 = arith.constant 4 : i32
      %mul3A_407 = arith.muli %add3A_349, %mul3A_406 : i32
      %add3A_408 = arith.addi %mul3A_2, %mul3A_407 : i32
      %add3A_409 = arith.constant 2 : i32
      %add3A_410 = arith.addi %add3A_408, %add3A_409 : i32
      %dma_start3A_411 = arith.constant 2 : i32
      %dma_start3A_412 = arith.constant 0 : i32
      %dma_start3A_413 = arith.constant 0 : i32
      %dma_start3A_414 = tpu.memref_slice %arg7[%dma_start3A_411, %dma_start3A_412, %dma_start3A_413] : memref<4x200x64xf32, #tpu.memory_space<vmem>> -> memref<1x200x64xf32, #tpu.memory_space<vmem>>
      %dma_start3A_415 = tpu.memref_squeeze %dma_start3A_414 : memref<1x200x64xf32, #tpu.memory_space<vmem>> -> memref<200x64xf32, #tpu.memory_space<vmem>>
      %dma_start3A_416 = arith.constant 100 : i32
      %dma_start3A_417 = arith.constant 0 : i32
      %dma_start3A_418 = tpu.memref_slice %dma_start3A_415[%dma_start3A_416, %dma_start3A_417] : memref<200x64xf32, #tpu.memory_space<vmem>> -> memref<50x64xf32, #tpu.memory_space<vmem>>
      %dma_start3A_419 = arith.constant 0 : i32
      %dma_start3A_420 = arith.constant 0 : i32
      %dma_start3A_421 = tpu.memref_slice %arg4[%add3A_410, %dma_start3A_419, %dma_start3A_420] : memref<16384x50x64xf32, #tpu.memory_space<hbm>> -> memref<1x50x64xf32, #tpu.memory_space<hbm>>
      %dma_start3A_422 = tpu.memref_squeeze %dma_start3A_421 : memref<1x50x64xf32, #tpu.memory_space<hbm>> -> memref<50x64xf32, #tpu.memory_space<hbm>>
      %dma_start3A_423 = arith.constant 0 : i32
      %dma_start3A_424 = arith.constant 0 : i32
      %dma_start3A_425 = tpu.memref_slice %arg4[%add3A_410, %dma_start3A_423, %dma_start3A_424] : memref<16384x50x64xf32, #tpu.memory_space<hbm>> -> memref<1x50x64xf32, #tpu.memory_space<hbm>>
      %dma_start3A_426 = tpu.memref_squeeze %dma_start3A_425 : memref<1x50x64xf32, #tpu.memory_space<hbm>> -> memref<50x64xf32, #tpu.memory_space<hbm>>
      %dma_start3A_427 = arith.constant 0 : i32
      %dma_start3A_428 = arith.constant 0 : i32
      %dma_start3A_429 = tpu.memref_slice %arg7[%dma_start3A_411, %dma_start3A_427, %dma_start3A_428] : memref<4x200x64xf32, #tpu.memory_space<vmem>> -> memref<1x200x64xf32, #tpu.memory_space<vmem>>
      %dma_start3A_430 = tpu.memref_squeeze %dma_start3A_429 : memref<1x200x64xf32, #tpu.memory_space<vmem>> -> memref<200x64xf32, #tpu.memory_space<vmem>>
      %dma_start3A_431 = arith.constant 100 : i32
      %dma_start3A_432 = arith.constant 0 : i32
      %dma_start3A_433 = tpu.memref_slice %dma_start3A_430[%dma_start3A_431, %dma_start3A_432] : memref<200x64xf32, #tpu.memory_space<vmem>> -> memref<50x64xf32, #tpu.memory_space<vmem>>
      tpu.enqueue_dma source(%dma_start3A_433 : memref<50x64xf32, #tpu.memory_space<vmem>>) target(%dma_start3A_426 : memref<50x64xf32, #tpu.memory_space<hbm>>) target_semaphore(%arg14 : memref<!tpu.dma_semaphore, #tpu.memory_space<semaphore_mem>>)
      %mul3A_434 = arith.constant 4 : i32
      %mul3A_435 = arith.muli %add3A_349, %mul3A_434 : i32
      %add3A_436 = arith.addi %mul3A_2, %mul3A_435 : i32
      %add3A_437 = arith.constant 3 : i32
      %add3A_438 = arith.addi %add3A_436, %add3A_437 : i32
      %dma_start3A_439 = arith.constant 2 : i32
      %dma_start3A_440 = arith.constant 0 : i32
      %dma_start3A_441 = arith.constant 0 : i32
      %dma_start3A_442 = tpu.memref_slice %arg7[%dma_start3A_439, %dma_start3A_440, %dma_start3A_441] : memref<4x200x64xf32, #tpu.memory_space<vmem>> -> memref<1x200x64xf32, #tpu.memory_space<vmem>>
      %dma_start3A_443 = tpu.memref_squeeze %dma_start3A_442 : memref<1x200x64xf32, #tpu.memory_space<vmem>> -> memref<200x64xf32, #tpu.memory_space<vmem>>
      %dma_start3A_444 = arith.constant 150 : i32
      %dma_start3A_445 = arith.constant 0 : i32
      %dma_start3A_446 = tpu.memref_slice %dma_start3A_443[%dma_start3A_444, %dma_start3A_445] : memref<200x64xf32, #tpu.memory_space<vmem>> -> memref<50x64xf32, #tpu.memory_space<vmem>>
      %dma_start3A_447 = arith.constant 0 : i32
      %dma_start3A_448 = arith.constant 0 : i32
      %dma_start3A_449 = tpu.memref_slice %arg4[%add3A_438, %dma_start3A_447, %dma_start3A_448] : memref<16384x50x64xf32, #tpu.memory_space<hbm>> -> memref<1x50x64xf32, #tpu.memory_space<hbm>>
      %dma_start3A_450 = tpu.memref_squeeze %dma_start3A_449 : memref<1x50x64xf32, #tpu.memory_space<hbm>> -> memref<50x64xf32, #tpu.memory_space<hbm>>
      %dma_start3A_451 = arith.constant 0 : i32
      %dma_start3A_452 = arith.constant 0 : i32
      %dma_start3A_453 = tpu.memref_slice %arg4[%add3A_438, %dma_start3A_451, %dma_start3A_452] : memref<16384x50x64xf32, #tpu.memory_space<hbm>> -> memref<1x50x64xf32, #tpu.memory_space<hbm>>
      %dma_start3A_454 = tpu.memref_squeeze %dma_start3A_453 : memref<1x50x64xf32, #tpu.memory_space<hbm>> -> memref<50x64xf32, #tpu.memory_space<hbm>>
      %dma_start3A_455 = arith.constant 0 : i32
      %dma_start3A_456 = arith.constant 0 : i32
      %dma_start3A_457 = tpu.memref_slice %arg7[%dma_start3A_439, %dma_start3A_455, %dma_start3A_456] : memref<4x200x64xf32, #tpu.memory_space<vmem>> -> memref<1x200x64xf32, #tpu.memory_space<vmem>>
      %dma_start3A_458 = tpu.memref_squeeze %dma_start3A_457 : memref<1x200x64xf32, #tpu.memory_space<vmem>> -> memref<200x64xf32, #tpu.memory_space<vmem>>
      %dma_start3A_459 = arith.constant 150 : i32
      %dma_start3A_460 = arith.constant 0 : i32
      %dma_start3A_461 = tpu.memref_slice %dma_start3A_458[%dma_start3A_459, %dma_start3A_460] : memref<200x64xf32, #tpu.memory_space<vmem>> -> memref<50x64xf32, #tpu.memory_space<vmem>>
      tpu.enqueue_dma source(%dma_start3A_461 : memref<50x64xf32, #tpu.memory_space<vmem>>) target(%dma_start3A_454 : memref<50x64xf32, #tpu.memory_space<hbm>>) target_semaphore(%arg14 : memref<!tpu.dma_semaphore, #tpu.memory_space<semaphore_mem>>)
      %add3A_462 = arith.constant 3 : i32
      %add3A_463 = arith.addi %mul3A_81, %add3A_462 : i32
      %mul3A_464 = arith.constant 200 : i32
      %mul3A_465 = arith.muli %add3A_463, %mul3A_464 : i32
      %dma_wait3A_466 = arith.constant 3 : i32
      %dma_wait3A_467 = arith.constant 0 : i32
      %dma_wait3A_468 = arith.constant 0 : i32
      %dma_wait3A_469 = tpu.memref_slice %arg7[%dma_wait3A_466, %dma_wait3A_467, %dma_wait3A_468] : memref<4x200x64xf32, #tpu.memory_space<vmem>> -> memref<1x200x64xf32, #tpu.memory_space<vmem>>
      %dma_wait3A_470 = tpu.memref_squeeze %dma_wait3A_469 : memref<1x200x64xf32, #tpu.memory_space<vmem>> -> memref<200x64xf32, #tpu.memory_space<vmem>>
      %dma_wait3A_471 = tpu.memref_slice %arg6[%mul3A_465] : memref<25600xi32, #tpu.memory_space<vmem>> -> memref<200xi32, #tpu.memory_space<vmem>>
      %dma_wait3A_472 = arith.constant 0 : i32
      %dma_wait3A_473 = arith.constant 0 : i32
      %dma_wait3A_474 = tpu.memref_slice %arg2[%dma_wait3A_472, %dma_wait3A_473] : memref<1000000x64xf32, #tpu.memory_space<hbm>> -> memref<1000000x64xf32, #tpu.memory_space<hbm>>
      tpu.wait_indirect_dma semaphore(%arg11 : memref<!tpu.dma_semaphore, #tpu.memory_space<semaphore_mem>>) src(%dma_wait3A_474 : memref<1000000x64xf32, #tpu.memory_space<hbm>>) dst(%dma_wait3A_470 : memref<200x64xf32, #tpu.memory_space<vmem>>)
      %add3A_475 = arith.constant 3 : i32
      %add3A_476 = arith.addi %mul3A_81, %add3A_475 : i32
      %mul3A_477 = arith.constant 4 : i32
      %mul3A_478 = arith.muli %add3A_476, %mul3A_477 : i32
      %add3A_479 = arith.addi %mul3A_2, %mul3A_478 : i32
      %add3A_480 = arith.constant 0 : i32
      %add3A_481 = arith.addi %add3A_479, %add3A_480 : i32
      %dma_start3A_482 = arith.constant 3 : i32
      %dma_start3A_483 = arith.constant 0 : i32
      %dma_start3A_484 = arith.constant 0 : i32
      %dma_start3A_485 = tpu.memref_slice %arg7[%dma_start3A_482, %dma_start3A_483, %dma_start3A_484] : memref<4x200x64xf32, #tpu.memory_space<vmem>> -> memref<1x200x64xf32, #tpu.memory_space<vmem>>
      %dma_start3A_486 = tpu.memref_squeeze %dma_start3A_485 : memref<1x200x64xf32, #tpu.memory_space<vmem>> -> memref<200x64xf32, #tpu.memory_space<vmem>>
      %dma_start3A_487 = arith.constant 0 : i32
      %dma_start3A_488 = arith.constant 0 : i32
      %dma_start3A_489 = tpu.memref_slice %dma_start3A_486[%dma_start3A_487, %dma_start3A_488] : memref<200x64xf32, #tpu.memory_space<vmem>> -> memref<50x64xf32, #tpu.memory_space<vmem>>
      %dma_start3A_490 = arith.constant 0 : i32
      %dma_start3A_491 = arith.constant 0 : i32
      %dma_start3A_492 = tpu.memref_slice %arg4[%add3A_481, %dma_start3A_490, %dma_start3A_491] : memref<16384x50x64xf32, #tpu.memory_space<hbm>> -> memref<1x50x64xf32, #tpu.memory_space<hbm>>
      %dma_start3A_493 = tpu.memref_squeeze %dma_start3A_492 : memref<1x50x64xf32, #tpu.memory_space<hbm>> -> memref<50x64xf32, #tpu.memory_space<hbm>>
      %dma_start3A_494 = arith.constant 0 : i32
      %dma_start3A_495 = arith.constant 0 : i32
      %dma_start3A_496 = tpu.memref_slice %arg4[%add3A_481, %dma_start3A_494, %dma_start3A_495] : memref<16384x50x64xf32, #tpu.memory_space<hbm>> -> memref<1x50x64xf32, #tpu.memory_space<hbm>>
      %dma_start3A_497 = tpu.memref_squeeze %dma_start3A_496 : memref<1x50x64xf32, #tpu.memory_space<hbm>> -> memref<50x64xf32, #tpu.memory_space<hbm>>
      %dma_start3A_498 = arith.constant 0 : i32
      %dma_start3A_499 = arith.constant 0 : i32
      %dma_start3A_500 = tpu.memref_slice %arg7[%dma_start3A_482, %dma_start3A_498, %dma_start3A_499] : memref<4x200x64xf32, #tpu.memory_space<vmem>> -> memref<1x200x64xf32, #tpu.memory_space<vmem>>
      %dma_start3A_501 = tpu.memref_squeeze %dma_start3A_500 : memref<1x200x64xf32, #tpu.memory_space<vmem>> -> memref<200x64xf32, #tpu.memory_space<vmem>>
      %dma_start3A_502 = arith.constant 0 : i32
      %dma_start3A_503 = arith.constant 0 : i32
      %dma_start3A_504 = tpu.memref_slice %dma_start3A_501[%dma_start3A_502, %dma_start3A_503] : memref<200x64xf32, #tpu.memory_space<vmem>> -> memref<50x64xf32, #tpu.memory_space<vmem>>
      tpu.enqueue_dma source(%dma_start3A_504 : memref<50x64xf32, #tpu.memory_space<vmem>>) target(%dma_start3A_497 : memref<50x64xf32, #tpu.memory_space<hbm>>) target_semaphore(%arg15 : memref<!tpu.dma_semaphore, #tpu.memory_space<semaphore_mem>>)
      %mul3A_505 = arith.constant 4 : i32
      %mul3A_506 = arith.muli %add3A_476, %mul3A_505 : i32
      %add3A_507 = arith.addi %mul3A_2, %mul3A_506 : i32
      %add3A_508 = arith.constant 1 : i32
      %add3A_509 = arith.addi %add3A_507, %add3A_508 : i32
      %dma_start3A_510 = arith.constant 3 : i32
      %dma_start3A_511 = arith.constant 0 : i32
      %dma_start3A_512 = arith.constant 0 : i32
      %dma_start3A_513 = tpu.memref_slice %arg7[%dma_start3A_510, %dma_start3A_511, %dma_start3A_512] : memref<4x200x64xf32, #tpu.memory_space<vmem>> -> memref<1x200x64xf32, #tpu.memory_space<vmem>>
      %dma_start3A_514 = tpu.memref_squeeze %dma_start3A_513 : memref<1x200x64xf32, #tpu.memory_space<vmem>> -> memref<200x64xf32, #tpu.memory_space<vmem>>
      %dma_start3A_515 = arith.constant 50 : i32
      %dma_start3A_516 = arith.constant 0 : i32
      %dma_start3A_517 = tpu.memref_slice %dma_start3A_514[%dma_start3A_515, %dma_start3A_516] : memref<200x64xf32, #tpu.memory_space<vmem>> -> memref<50x64xf32, #tpu.memory_space<vmem>>
      %dma_start3A_518 = arith.constant 0 : i32
      %dma_start3A_519 = arith.constant 0 : i32
      %dma_start3A_520 = tpu.memref_slice %arg4[%add3A_509, %dma_start3A_518, %dma_start3A_519] : memref<16384x50x64xf32, #tpu.memory_space<hbm>> -> memref<1x50x64xf32, #tpu.memory_space<hbm>>
      %dma_start3A_521 = tpu.memref_squeeze %dma_start3A_520 : memref<1x50x64xf32, #tpu.memory_space<hbm>> -> memref<50x64xf32, #tpu.memory_space<hbm>>
      %dma_start3A_522 = arith.constant 0 : i32
      %dma_start3A_523 = arith.constant 0 : i32
      %dma_start3A_524 = tpu.memref_slice %arg4[%add3A_509, %dma_start3A_522, %dma_start3A_523] : memref<16384x50x64xf32, #tpu.memory_space<hbm>> -> memref<1x50x64xf32, #tpu.memory_space<hbm>>
      %dma_start3A_525 = tpu.memref_squeeze %dma_start3A_524 : memref<1x50x64xf32, #tpu.memory_space<hbm>> -> memref<50x64xf32, #tpu.memory_space<hbm>>
      %dma_start3A_526 = arith.constant 0 : i32
      %dma_start3A_527 = arith.constant 0 : i32
      %dma_start3A_528 = tpu.memref_slice %arg7[%dma_start3A_510, %dma_start3A_526, %dma_start3A_527] : memref<4x200x64xf32, #tpu.memory_space<vmem>> -> memref<1x200x64xf32, #tpu.memory_space<vmem>>
      %dma_start3A_529 = tpu.memref_squeeze %dma_start3A_528 : memref<1x200x64xf32, #tpu.memory_space<vmem>> -> memref<200x64xf32, #tpu.memory_space<vmem>>
      %dma_start3A_530 = arith.constant 50 : i32
      %dma_start3A_531 = arith.constant 0 : i32
      %dma_start3A_532 = tpu.memref_slice %dma_start3A_529[%dma_start3A_530, %dma_start3A_531] : memref<200x64xf32, #tpu.memory_space<vmem>> -> memref<50x64xf32, #tpu.memory_space<vmem>>
      tpu.enqueue_dma source(%dma_start3A_532 : memref<50x64xf32, #tpu.memory_space<vmem>>) target(%dma_start3A_525 : memref<50x64xf32, #tpu.memory_space<hbm>>) target_semaphore(%arg15 : memref<!tpu.dma_semaphore, #tpu.memory_space<semaphore_mem>>)
      %mul3A_533 = arith.constant 4 : i32
      %mul3A_534 = arith.muli %add3A_476, %mul3A_533 : i32
      %add3A_535 = arith.addi %mul3A_2, %mul3A_534 : i32
      %add3A_536 = arith.constant 2 : i32
      %add3A_537 = arith.addi %add3A_535, %add3A_536 : i32
      %dma_start3A_538 = arith.constant 3 : i32
      %dma_start3A_539 = arith.constant 0 : i32
      %dma_start3A_540 = arith.constant 0 : i32
      %dma_start3A_541 = tpu.memref_slice %arg7[%dma_start3A_538, %dma_start3A_539, %dma_start3A_540] : memref<4x200x64xf32, #tpu.memory_space<vmem>> -> memref<1x200x64xf32, #tpu.memory_space<vmem>>
      %dma_start3A_542 = tpu.memref_squeeze %dma_start3A_541 : memref<1x200x64xf32, #tpu.memory_space<vmem>> -> memref<200x64xf32, #tpu.memory_space<vmem>>
      %dma_start3A_543 = arith.constant 100 : i32
      %dma_start3A_544 = arith.constant 0 : i32
      %dma_start3A_545 = tpu.memref_slice %dma_start3A_542[%dma_start3A_543, %dma_start3A_544] : memref<200x64xf32, #tpu.memory_space<vmem>> -> memref<50x64xf32, #tpu.memory_space<vmem>>
      %dma_start3A_546 = arith.constant 0 : i32
      %dma_start3A_547 = arith.constant 0 : i32
      %dma_start3A_548 = tpu.memref_slice %arg4[%add3A_537, %dma_start3A_546, %dma_start3A_547] : memref<16384x50x64xf32, #tpu.memory_space<hbm>> -> memref<1x50x64xf32, #tpu.memory_space<hbm>>
      %dma_start3A_549 = tpu.memref_squeeze %dma_start3A_548 : memref<1x50x64xf32, #tpu.memory_space<hbm>> -> memref<50x64xf32, #tpu.memory_space<hbm>>
      %dma_start3A_550 = arith.constant 0 : i32
      %dma_start3A_551 = arith.constant 0 : i32
      %dma_start3A_552 = tpu.memref_slice %arg4[%add3A_537, %dma_start3A_550, %dma_start3A_551] : memref<16384x50x64xf32, #tpu.memory_space<hbm>> -> memref<1x50x64xf32, #tpu.memory_space<hbm>>
      %dma_start3A_553 = tpu.memref_squeeze %dma_start3A_552 : memref<1x50x64xf32, #tpu.memory_space<hbm>> -> memref<50x64xf32, #tpu.memory_space<hbm>>
      %dma_start3A_554 = arith.constant 0 : i32
      %dma_start3A_555 = arith.constant 0 : i32
      %dma_start3A_556 = tpu.memref_slice %arg7[%dma_start3A_538, %dma_start3A_554, %dma_start3A_555] : memref<4x200x64xf32, #tpu.memory_space<vmem>> -> memref<1x200x64xf32, #tpu.memory_space<vmem>>
      %dma_start3A_557 = tpu.memref_squeeze %dma_start3A_556 : memref<1x200x64xf32, #tpu.memory_space<vmem>> -> memref<200x64xf32, #tpu.memory_space<vmem>>
      %dma_start3A_558 = arith.constant 100 : i32
      %dma_start3A_559 = arith.constant 0 : i32
      %dma_start3A_560 = tpu.memref_slice %dma_start3A_557[%dma_start3A_558, %dma_start3A_559] : memref<200x64xf32, #tpu.memory_space<vmem>> -> memref<50x64xf32, #tpu.memory_space<vmem>>
      tpu.enqueue_dma source(%dma_start3A_560 : memref<50x64xf32, #tpu.memory_space<vmem>>) target(%dma_start3A_553 : memref<50x64xf32, #tpu.memory_space<hbm>>) target_semaphore(%arg15 : memref<!tpu.dma_semaphore, #tpu.memory_space<semaphore_mem>>)
      %mul3A_561 = arith.constant 4 : i32
      %mul3A_562 = arith.muli %add3A_476, %mul3A_561 : i32
      %add3A_563 = arith.addi %mul3A_2, %mul3A_562 : i32
      %add3A_564 = arith.constant 3 : i32
      %add3A_565 = arith.addi %add3A_563, %add3A_564 : i32
      %dma_start3A_566 = arith.constant 3 : i32
      %dma_start3A_567 = arith.constant 0 : i32
      %dma_start3A_568 = arith.constant 0 : i32
      %dma_start3A_569 = tpu.memref_slice %arg7[%dma_start3A_566, %dma_start3A_567, %dma_start3A_568] : memref<4x200x64xf32, #tpu.memory_space<vmem>> -> memref<1x200x64xf32, #tpu.memory_space<vmem>>
      %dma_start3A_570 = tpu.memref_squeeze %dma_start3A_569 : memref<1x200x64xf32, #tpu.memory_space<vmem>> -> memref<200x64xf32, #tpu.memory_space<vmem>>
      %dma_start3A_571 = arith.constant 150 : i32
      %dma_start3A_572 = arith.constant 0 : i32
      %dma_start3A_573 = tpu.memref_slice %dma_start3A_570[%dma_start3A_571, %dma_start3A_572] : memref<200x64xf32, #tpu.memory_space<vmem>> -> memref<50x64xf32, #tpu.memory_space<vmem>>
      %dma_start3A_574 = arith.constant 0 : i32
      %dma_start3A_575 = arith.constant 0 : i32
      %dma_start3A_576 = tpu.memref_slice %arg4[%add3A_565, %dma_start3A_574, %dma_start3A_575] : memref<16384x50x64xf32, #tpu.memory_space<hbm>> -> memref<1x50x64xf32, #tpu.memory_space<hbm>>
      %dma_start3A_577 = tpu.memref_squeeze %dma_start3A_576 : memref<1x50x64xf32, #tpu.memory_space<hbm>> -> memref<50x64xf32, #tpu.memory_space<hbm>>
      %dma_start3A_578 = arith.constant 0 : i32
      %dma_start3A_579 = arith.constant 0 : i32
      %dma_start3A_580 = tpu.memref_slice %arg4[%add3A_565, %dma_start3A_578, %dma_start3A_579] : memref<16384x50x64xf32, #tpu.memory_space<hbm>> -> memref<1x50x64xf32, #tpu.memory_space<hbm>>
      %dma_start3A_581 = tpu.memref_squeeze %dma_start3A_580 : memref<1x50x64xf32, #tpu.memory_space<hbm>> -> memref<50x64xf32, #tpu.memory_space<hbm>>
      %dma_start3A_582 = arith.constant 0 : i32
      %dma_start3A_583 = arith.constant 0 : i32
      %dma_start3A_584 = tpu.memref_slice %arg7[%dma_start3A_566, %dma_start3A_582, %dma_start3A_583] : memref<4x200x64xf32, #tpu.memory_space<vmem>> -> memref<1x200x64xf32, #tpu.memory_space<vmem>>
      %dma_start3A_585 = tpu.memref_squeeze %dma_start3A_584 : memref<1x200x64xf32, #tpu.memory_space<vmem>> -> memref<200x64xf32, #tpu.memory_space<vmem>>
      %dma_start3A_586 = arith.constant 150 : i32
      %dma_start3A_587 = arith.constant 0 : i32
      %dma_start3A_588 = tpu.memref_slice %dma_start3A_585[%dma_start3A_586, %dma_start3A_587] : memref<200x64xf32, #tpu.memory_space<vmem>> -> memref<50x64xf32, #tpu.memory_space<vmem>>
      tpu.enqueue_dma source(%dma_start3A_588 : memref<50x64xf32, #tpu.memory_space<vmem>>) target(%dma_start3A_581 : memref<50x64xf32, #tpu.memory_space<hbm>>) target_semaphore(%arg15 : memref<!tpu.dma_semaphore, #tpu.memory_space<semaphore_mem>>)
      %add3A_589 = arith.constant 0 : i32
      %add3A_590 = arith.addi %mul3A_81, %add3A_589 : i32
      %mul3A_591 = arith.constant 4 : i32
      %mul3A_592 = arith.muli %add3A_590, %mul3A_591 : i32
      %add3A_593 = arith.addi %mul3A_2, %mul3A_592 : i32
      %add3A_594 = arith.constant 0 : i32
      %add3A_595 = arith.addi %add3A_593, %add3A_594 : i32
      %dma_wait3A_596 = arith.constant 0 : i32
      %dma_wait3A_597 = arith.constant 0 : i32
      %dma_wait3A_598 = arith.constant 0 : i32
      %dma_wait3A_599 = tpu.memref_slice %arg7[%dma_wait3A_596, %dma_wait3A_597, %dma_wait3A_598] : memref<4x200x64xf32, #tpu.memory_space<vmem>> -> memref<1x200x64xf32, #tpu.memory_space<vmem>>
      %dma_wait3A_600 = tpu.memref_squeeze %dma_wait3A_599 : memref<1x200x64xf32, #tpu.memory_space<vmem>> -> memref<200x64xf32, #tpu.memory_space<vmem>>
      %dma_wait3A_601 = arith.constant 0 : i32
      %dma_wait3A_602 = arith.constant 0 : i32
      %dma_wait3A_603 = tpu.memref_slice %dma_wait3A_600[%dma_wait3A_601, %dma_wait3A_602] : memref<200x64xf32, #tpu.memory_space<vmem>> -> memref<50x64xf32, #tpu.memory_space<vmem>>
      %dma_wait3A_604 = arith.constant 0 : i32
      %dma_wait3A_605 = arith.constant 0 : i32
      %dma_wait3A_606 = tpu.memref_slice %arg4[%add3A_595, %dma_wait3A_604, %dma_wait3A_605] : memref<16384x50x64xf32, #tpu.memory_space<hbm>> -> memref<1x50x64xf32, #tpu.memory_space<hbm>>
      %dma_wait3A_607 = tpu.memref_squeeze %dma_wait3A_606 : memref<1x50x64xf32, #tpu.memory_space<hbm>> -> memref<50x64xf32, #tpu.memory_space<hbm>>
      %dma_wait3A_608 = arith.constant 0 : i32
      %dma_wait3A_609 = arith.constant 0 : i32
      %dma_wait3A_610 = tpu.memref_slice %arg4[%add3A_595, %dma_wait3A_608, %dma_wait3A_609] : memref<16384x50x64xf32, #tpu.memory_space<hbm>> -> memref<1x50x64xf32, #tpu.memory_space<hbm>>
      %dma_wait3A_611 = tpu.memref_squeeze %dma_wait3A_610 : memref<1x50x64xf32, #tpu.memory_space<hbm>> -> memref<50x64xf32, #tpu.memory_space<hbm>>
      %dma_wait3A_612 = arith.constant 0 : i32
      %dma_wait3A_613 = arith.constant 0 : i32
      %dma_wait3A_614 = tpu.memref_slice %arg7[%dma_wait3A_596, %dma_wait3A_612, %dma_wait3A_613] : memref<4x200x64xf32, #tpu.memory_space<vmem>> -> memref<1x200x64xf32, #tpu.memory_space<vmem>>
      %dma_wait3A_615 = tpu.memref_squeeze %dma_wait3A_614 : memref<1x200x64xf32, #tpu.memory_space<vmem>> -> memref<200x64xf32, #tpu.memory_space<vmem>>
      %dma_wait3A_616 = arith.constant 0 : i32
      %dma_wait3A_617 = arith.constant 0 : i32
      %dma_wait3A_618 = tpu.memref_slice %dma_wait3A_615[%dma_wait3A_616, %dma_wait3A_617] : memref<200x64xf32, #tpu.memory_space<vmem>> -> memref<50x64xf32, #tpu.memory_space<vmem>>
      tpu.wait_dma2 semaphore(%arg12 : memref<!tpu.dma_semaphore, #tpu.memory_space<semaphore_mem>>) src(%dma_wait3A_618 : memref<50x64xf32, #tpu.memory_space<vmem>>) dst(%dma_wait3A_611 : memref<50x64xf32, #tpu.memory_space<hbm>>)
      %mul3A_619 = arith.constant 4 : i32
      %mul3A_620 = arith.muli %add3A_590, %mul3A_619 : i32
      %add3A_621 = arith.addi %mul3A_2, %mul3A_620 : i32
      %add3A_622 = arith.constant 1 : i32
      %add3A_623 = arith.addi %add3A_621, %add3A_622 : i32
      %dma_wait3A_624 = arith.constant 0 : i32
      %dma_wait3A_625 = arith.constant 0 : i32
      %dma_wait3A_626 = arith.constant 0 : i32
      %dma_wait3A_627 = tpu.memref_slice %arg7[%dma_wait3A_624, %dma_wait3A_625, %dma_wait3A_626] : memref<4x200x64xf32, #tpu.memory_space<vmem>> -> memref<1x200x64xf32, #tpu.memory_space<vmem>>
      %dma_wait3A_628 = tpu.memref_squeeze %dma_wait3A_627 : memref<1x200x64xf32, #tpu.memory_space<vmem>> -> memref<200x64xf32, #tpu.memory_space<vmem>>
      %dma_wait3A_629 = arith.constant 50 : i32
      %dma_wait3A_630 = arith.constant 0 : i32
      %dma_wait3A_631 = tpu.memref_slice %dma_wait3A_628[%dma_wait3A_629, %dma_wait3A_630] : memref<200x64xf32, #tpu.memory_space<vmem>> -> memref<50x64xf32, #tpu.memory_space<vmem>>
      %dma_wait3A_632 = arith.constant 0 : i32
      %dma_wait3A_633 = arith.constant 0 : i32
      %dma_wait3A_634 = tpu.memref_slice %arg4[%add3A_623, %dma_wait3A_632, %dma_wait3A_633] : memref<16384x50x64xf32, #tpu.memory_space<hbm>> -> memref<1x50x64xf32, #tpu.memory_space<hbm>>
      %dma_wait3A_635 = tpu.memref_squeeze %dma_wait3A_634 : memref<1x50x64xf32, #tpu.memory_space<hbm>> -> memref<50x64xf32, #tpu.memory_space<hbm>>
      %dma_wait3A_636 = arith.constant 0 : i32
      %dma_wait3A_637 = arith.constant 0 : i32
      %dma_wait3A_638 = tpu.memref_slice %arg4[%add3A_623, %dma_wait3A_636, %dma_wait3A_637] : memref<16384x50x64xf32, #tpu.memory_space<hbm>> -> memref<1x50x64xf32, #tpu.memory_space<hbm>>
      %dma_wait3A_639 = tpu.memref_squeeze %dma_wait3A_638 : memref<1x50x64xf32, #tpu.memory_space<hbm>> -> memref<50x64xf32, #tpu.memory_space<hbm>>
      %dma_wait3A_640 = arith.constant 0 : i32
      %dma_wait3A_641 = arith.constant 0 : i32
      %dma_wait3A_642 = tpu.memref_slice %arg7[%dma_wait3A_624, %dma_wait3A_640, %dma_wait3A_641] : memref<4x200x64xf32, #tpu.memory_space<vmem>> -> memref<1x200x64xf32, #tpu.memory_space<vmem>>
      %dma_wait3A_643 = tpu.memref_squeeze %dma_wait3A_642 : memref<1x200x64xf32, #tpu.memory_space<vmem>> -> memref<200x64xf32, #tpu.memory_space<vmem>>
      %dma_wait3A_644 = arith.constant 50 : i32
      %dma_wait3A_645 = arith.constant 0 : i32
      %dma_wait3A_646 = tpu.memref_slice %dma_wait3A_643[%dma_wait3A_644, %dma_wait3A_645] : memref<200x64xf32, #tpu.memory_space<vmem>> -> memref<50x64xf32, #tpu.memory_space<vmem>>
      tpu.wait_dma2 semaphore(%arg12 : memref<!tpu.dma_semaphore, #tpu.memory_space<semaphore_mem>>) src(%dma_wait3A_646 : memref<50x64xf32, #tpu.memory_space<vmem>>) dst(%dma_wait3A_639 : memref<50x64xf32, #tpu.memory_space<hbm>>)
      %mul3A_647 = arith.constant 4 : i32
      %mul3A_648 = arith.muli %add3A_590, %mul3A_647 : i32
      %add3A_649 = arith.addi %mul3A_2, %mul3A_648 : i32
      %add3A_650 = arith.constant 2 : i32
      %add3A_651 = arith.addi %add3A_649, %add3A_650 : i32
      %dma_wait3A_652 = arith.constant 0 : i32
      %dma_wait3A_653 = arith.constant 0 : i32
      %dma_wait3A_654 = arith.constant 0 : i32
      %dma_wait3A_655 = tpu.memref_slice %arg7[%dma_wait3A_652, %dma_wait3A_653, %dma_wait3A_654] : memref<4x200x64xf32, #tpu.memory_space<vmem>> -> memref<1x200x64xf32, #tpu.memory_space<vmem>>
      %dma_wait3A_656 = tpu.memref_squeeze %dma_wait3A_655 : memref<1x200x64xf32, #tpu.memory_space<vmem>> -> memref<200x64xf32, #tpu.memory_space<vmem>>
      %dma_wait3A_657 = arith.constant 100 : i32
      %dma_wait3A_658 = arith.constant 0 : i32
      %dma_wait3A_659 = tpu.memref_slice %dma_wait3A_656[%dma_wait3A_657, %dma_wait3A_658] : memref<200x64xf32, #tpu.memory_space<vmem>> -> memref<50x64xf32, #tpu.memory_space<vmem>>
      %dma_wait3A_660 = arith.constant 0 : i32
      %dma_wait3A_661 = arith.constant 0 : i32
      %dma_wait3A_662 = tpu.memref_slice %arg4[%add3A_651, %dma_wait3A_660, %dma_wait3A_661] : memref<16384x50x64xf32, #tpu.memory_space<hbm>> -> memref<1x50x64xf32, #tpu.memory_space<hbm>>
      %dma_wait3A_663 = tpu.memref_squeeze %dma_wait3A_662 : memref<1x50x64xf32, #tpu.memory_space<hbm>> -> memref<50x64xf32, #tpu.memory_space<hbm>>
      %dma_wait3A_664 = arith.constant 0 : i32
      %dma_wait3A_665 = arith.constant 0 : i32
      %dma_wait3A_666 = tpu.memref_slice %arg4[%add3A_651, %dma_wait3A_664, %dma_wait3A_665] : memref<16384x50x64xf32, #tpu.memory_space<hbm>> -> memref<1x50x64xf32, #tpu.memory_space<hbm>>
      %dma_wait3A_667 = tpu.memref_squeeze %dma_wait3A_666 : memref<1x50x64xf32, #tpu.memory_space<hbm>> -> memref<50x64xf32, #tpu.memory_space<hbm>>
      %dma_wait3A_668 = arith.constant 0 : i32
      %dma_wait3A_669 = arith.constant 0 : i32
      %dma_wait3A_670 = tpu.memref_slice %arg7[%dma_wait3A_652, %dma_wait3A_668, %dma_wait3A_669] : memref<4x200x64xf32, #tpu.memory_space<vmem>> -> memref<1x200x64xf32, #tpu.memory_space<vmem>>
      %dma_wait3A_671 = tpu.memref_squeeze %dma_wait3A_670 : memref<1x200x64xf32, #tpu.memory_space<vmem>> -> memref<200x64xf32, #tpu.memory_space<vmem>>
      %dma_wait3A_672 = arith.constant 100 : i32
      %dma_wait3A_673 = arith.constant 0 : i32
      %dma_wait3A_674 = tpu.memref_slice %dma_wait3A_671[%dma_wait3A_672, %dma_wait3A_673] : memref<200x64xf32, #tpu.memory_space<vmem>> -> memref<50x64xf32, #tpu.memory_space<vmem>>
      tpu.wait_dma2 semaphore(%arg12 : memref<!tpu.dma_semaphore, #tpu.memory_space<semaphore_mem>>) src(%dma_wait3A_674 : memref<50x64xf32, #tpu.memory_space<vmem>>) dst(%dma_wait3A_667 : memref<50x64xf32, #tpu.memory_space<hbm>>)
      %mul3A_675 = arith.constant 4 : i32
      %mul3A_676 = arith.muli %add3A_590, %mul3A_675 : i32
      %add3A_677 = arith.addi %mul3A_2, %mul3A_676 : i32
      %add3A_678 = arith.constant 3 : i32
      %add3A_679 = arith.addi %add3A_677, %add3A_678 : i32
      %dma_wait3A_680 = arith.constant 0 : i32
      %dma_wait3A_681 = arith.constant 0 : i32
      %dma_wait3A_682 = arith.constant 0 : i32
      %dma_wait3A_683 = tpu.memref_slice %arg7[%dma_wait3A_680, %dma_wait3A_681, %dma_wait3A_682] : memref<4x200x64xf32, #tpu.memory_space<vmem>> -> memref<1x200x64xf32, #tpu.memory_space<vmem>>
      %dma_wait3A_684 = tpu.memref_squeeze %dma_wait3A_683 : memref<1x200x64xf32, #tpu.memory_space<vmem>> -> memref<200x64xf32, #tpu.memory_space<vmem>>
      %dma_wait3A_685 = arith.constant 150 : i32
      %dma_wait3A_686 = arith.constant 0 : i32
      %dma_wait3A_687 = tpu.memref_slice %dma_wait3A_684[%dma_wait3A_685, %dma_wait3A_686] : memref<200x64xf32, #tpu.memory_space<vmem>> -> memref<50x64xf32, #tpu.memory_space<vmem>>
      %dma_wait3A_688 = arith.constant 0 : i32
      %dma_wait3A_689 = arith.constant 0 : i32
      %dma_wait3A_690 = tpu.memref_slice %arg4[%add3A_679, %dma_wait3A_688, %dma_wait3A_689] : memref<16384x50x64xf32, #tpu.memory_space<hbm>> -> memref<1x50x64xf32, #tpu.memory_space<hbm>>
      %dma_wait3A_691 = tpu.memref_squeeze %dma_wait3A_690 : memref<1x50x64xf32, #tpu.memory_space<hbm>> -> memref<50x64xf32, #tpu.memory_space<hbm>>
      %dma_wait3A_692 = arith.constant 0 : i32
      %dma_wait3A_693 = arith.constant 0 : i32
      %dma_wait3A_694 = tpu.memref_slice %arg4[%add3A_679, %dma_wait3A_692, %dma_wait3A_693] : memref<16384x50x64xf32, #tpu.memory_space<hbm>> -> memref<1x50x64xf32, #tpu.memory_space<hbm>>
      %dma_wait3A_695 = tpu.memref_squeeze %dma_wait3A_694 : memref<1x50x64xf32, #tpu.memory_space<hbm>> -> memref<50x64xf32, #tpu.memory_space<hbm>>
      %dma_wait3A_696 = arith.constant 0 : i32
      %dma_wait3A_697 = arith.constant 0 : i32
      %dma_wait3A_698 = tpu.memref_slice %arg7[%dma_wait3A_680, %dma_wait3A_696, %dma_wait3A_697] : memref<4x200x64xf32, #tpu.memory_space<vmem>> -> memref<1x200x64xf32, #tpu.memory_space<vmem>>
      %dma_wait3A_699 = tpu.memref_squeeze %dma_wait3A_698 : memref<1x200x64xf32, #tpu.memory_space<vmem>> -> memref<200x64xf32, #tpu.memory_space<vmem>>
      %dma_wait3A_700 = arith.constant 150 : i32
      %dma_wait3A_701 = arith.constant 0 : i32
      %dma_wait3A_702 = tpu.memref_slice %dma_wait3A_699[%dma_wait3A_700, %dma_wait3A_701] : memref<200x64xf32, #tpu.memory_space<vmem>> -> memref<50x64xf32, #tpu.memory_space<vmem>>
      tpu.wait_dma2 semaphore(%arg12 : memref<!tpu.dma_semaphore, #tpu.memory_space<semaphore_mem>>) src(%dma_wait3A_702 : memref<50x64xf32, #tpu.memory_space<vmem>>) dst(%dma_wait3A_695 : memref<50x64xf32, #tpu.memory_space<hbm>>)
      %add3A_703 = arith.constant 0 : i32
      %add3A_704 = arith.addi %mul3A_81, %add3A_703 : i32
      %add3A_705 = arith.constant 4 : i32
      %add3A_706 = arith.addi %add3A_704, %add3A_705 : i32
      %lt3A = arith.constant 128 : i32
      %lt3A_707 = arith.cmpi slt, %add3A_706, %lt3A : i32
      %add3A_708 = arith.constant 0 : i32
      %add3A_709 = arith.addi %mul3A_81, %add3A_708 : i32
      %convert_element_type3A = arith.extui %lt3A_707 : i1 to i32
      %cond3A = arith.constant 0 : i32
      %cond3A_710 = arith.cmpi ne, %convert_element_type3A, %cond3A : i32
      scf.if %cond3A_710 {
        %add3A_1086 = arith.constant 4 : i32
        %add3A_1087 = arith.addi %add3A_709, %add3A_1086 : i32
        %mul3A_1088 = arith.constant 200 : i32
        %mul3A_1089 = arith.muli %add3A_1087, %mul3A_1088 : i32
        %dma_start3A_1090 = arith.constant 0 : i32
        %dma_start3A_1091 = arith.constant 0 : i32
        %dma_start3A_1092 = arith.constant 0 : i32
        %dma_start3A_1093 = tpu.memref_slice %arg7[%dma_start3A_1090, %dma_start3A_1091, %dma_start3A_1092] : memref<4x200x64xf32, #tpu.memory_space<vmem>> -> memref<1x200x64xf32, #tpu.memory_space<vmem>>
        %dma_start3A_1094 = tpu.memref_squeeze %dma_start3A_1093 : memref<1x200x64xf32, #tpu.memory_space<vmem>> -> memref<200x64xf32, #tpu.memory_space<vmem>>
        %dma_start3A_1095 = tpu.memref_slice %arg6[%mul3A_1089] : memref<25600xi32, #tpu.memory_space<vmem>> -> memref<200xi32, #tpu.memory_space<vmem>>
        %dma_start3A_1096 = arith.constant 0 : i32
        %dma_start3A_1097 = arith.constant 0 : i32
        %dma_start3A_1098 = tpu.memref_slice %arg2[%dma_start3A_1096, %dma_start3A_1097] : memref<1000000x64xf32, #tpu.memory_space<hbm>> -> memref<1000000x64xf32, #tpu.memory_space<hbm>>
        tpu.enqueue_indirect_dma source(%dma_start3A_1098 : memref<1000000x64xf32, #tpu.memory_space<hbm>>) target(%dma_start3A_1094 : memref<200x64xf32, #tpu.memory_space<vmem>>) offsets(%dma_start3A_1095 : memref<200xi32, #tpu.memory_space<vmem>>) semaphore(%arg8 : memref<!tpu.dma_semaphore, #tpu.memory_space<semaphore_mem>>)
      } else {
      }
      %add3A_711 = arith.constant 1 : i32
      %add3A_712 = arith.addi %mul3A_81, %add3A_711 : i32
      %mul3A_713 = arith.constant 4 : i32
      %mul3A_714 = arith.muli %add3A_712, %mul3A_713 : i32
      %add3A_715 = arith.addi %mul3A_2, %mul3A_714 : i32
      %add3A_716 = arith.constant 0 : i32
      %add3A_717 = arith.addi %add3A_715, %add3A_716 : i32
      %dma_wait3A_718 = arith.constant 1 : i32
      %dma_wait3A_719 = arith.constant 0 : i32
      %dma_wait3A_720 = arith.constant 0 : i32
      %dma_wait3A_721 = tpu.memref_slice %arg7[%dma_wait3A_718, %dma_wait3A_719, %dma_wait3A_720] : memref<4x200x64xf32, #tpu.memory_space<vmem>> -> memref<1x200x64xf32, #tpu.memory_space<vmem>>
      %dma_wait3A_722 = tpu.memref_squeeze %dma_wait3A_721 : memref<1x200x64xf32, #tpu.memory_space<vmem>> -> memref<200x64xf32, #tpu.memory_space<vmem>>
      %dma_wait3A_723 = arith.constant 0 : i32
      %dma_wait3A_724 = arith.constant 0 : i32
      %dma_wait3A_725 = tpu.memref_slice %dma_wait3A_722[%dma_wait3A_723, %dma_wait3A_724] : memref<200x64xf32, #tpu.memory_space<vmem>> -> memref<50x64xf32, #tpu.memory_space<vmem>>
      %dma_wait3A_726 = arith.constant 0 : i32
      %dma_wait3A_727 = arith.constant 0 : i32
      %dma_wait3A_728 = tpu.memref_slice %arg4[%add3A_717, %dma_wait3A_726, %dma_wait3A_727] : memref<16384x50x64xf32, #tpu.memory_space<hbm>> -> memref<1x50x64xf32, #tpu.memory_space<hbm>>
      %dma_wait3A_729 = tpu.memref_squeeze %dma_wait3A_728 : memref<1x50x64xf32, #tpu.memory_space<hbm>> -> memref<50x64xf32, #tpu.memory_space<hbm>>
      %dma_wait3A_730 = arith.constant 0 : i32
      %dma_wait3A_731 = arith.constant 0 : i32
      %dma_wait3A_732 = tpu.memref_slice %arg4[%add3A_717, %dma_wait3A_730, %dma_wait3A_731] : memref<16384x50x64xf32, #tpu.memory_space<hbm>> -> memref<1x50x64xf32, #tpu.memory_space<hbm>>
      %dma_wait3A_733 = tpu.memref_squeeze %dma_wait3A_732 : memref<1x50x64xf32, #tpu.memory_space<hbm>> -> memref<50x64xf32, #tpu.memory_space<hbm>>
      %dma_wait3A_734 = arith.constant 0 : i32
      %dma_wait3A_735 = arith.constant 0 : i32
      %dma_wait3A_736 = tpu.memref_slice %arg7[%dma_wait3A_718, %dma_wait3A_734, %dma_wait3A_735] : memref<4x200x64xf32, #tpu.memory_space<vmem>> -> memref<1x200x64xf32, #tpu.memory_space<vmem>>
      %dma_wait3A_737 = tpu.memref_squeeze %dma_wait3A_736 : memref<1x200x64xf32, #tpu.memory_space<vmem>> -> memref<200x64xf32, #tpu.memory_space<vmem>>
      %dma_wait3A_738 = arith.constant 0 : i32
      %dma_wait3A_739 = arith.constant 0 : i32
      %dma_wait3A_740 = tpu.memref_slice %dma_wait3A_737[%dma_wait3A_738, %dma_wait3A_739] : memref<200x64xf32, #tpu.memory_space<vmem>> -> memref<50x64xf32, #tpu.memory_space<vmem>>
      tpu.wait_dma2 semaphore(%arg13 : memref<!tpu.dma_semaphore, #tpu.memory_space<semaphore_mem>>) src(%dma_wait3A_740 : memref<50x64xf32, #tpu.memory_space<vmem>>) dst(%dma_wait3A_733 : memref<50x64xf32, #tpu.memory_space<hbm>>)
      %mul3A_741 = arith.constant 4 : i32
      %mul3A_742 = arith.muli %add3A_712, %mul3A_741 : i32
      %add3A_743 = arith.addi %mul3A_2, %mul3A_742 : i32
      %add3A_744 = arith.constant 1 : i32
      %add3A_745 = arith.addi %add3A_743, %add3A_744 : i32
      %dma_wait3A_746 = arith.constant 1 : i32
      %dma_wait3A_747 = arith.constant 0 : i32
      %dma_wait3A_748 = arith.constant 0 : i32
      %dma_wait3A_749 = tpu.memref_slice %arg7[%dma_wait3A_746, %dma_wait3A_747, %dma_wait3A_748] : memref<4x200x64xf32, #tpu.memory_space<vmem>> -> memref<1x200x64xf32, #tpu.memory_space<vmem>>
      %dma_wait3A_750 = tpu.memref_squeeze %dma_wait3A_749 : memref<1x200x64xf32, #tpu.memory_space<vmem>> -> memref<200x64xf32, #tpu.memory_space<vmem>>
      %dma_wait3A_751 = arith.constant 50 : i32
      %dma_wait3A_752 = arith.constant 0 : i32
      %dma_wait3A_753 = tpu.memref_slice %dma_wait3A_750[%dma_wait3A_751, %dma_wait3A_752] : memref<200x64xf32, #tpu.memory_space<vmem>> -> memref<50x64xf32, #tpu.memory_space<vmem>>
      %dma_wait3A_754 = arith.constant 0 : i32
      %dma_wait3A_755 = arith.constant 0 : i32
      %dma_wait3A_756 = tpu.memref_slice %arg4[%add3A_745, %dma_wait3A_754, %dma_wait3A_755] : memref<16384x50x64xf32, #tpu.memory_space<hbm>> -> memref<1x50x64xf32, #tpu.memory_space<hbm>>
      %dma_wait3A_757 = tpu.memref_squeeze %dma_wait3A_756 : memref<1x50x64xf32, #tpu.memory_space<hbm>> -> memref<50x64xf32, #tpu.memory_space<hbm>>
      %dma_wait3A_758 = arith.constant 0 : i32
      %dma_wait3A_759 = arith.constant 0 : i32
      %dma_wait3A_760 = tpu.memref_slice %arg4[%add3A_745, %dma_wait3A_758, %dma_wait3A_759] : memref<16384x50x64xf32, #tpu.memory_space<hbm>> -> memref<1x50x64xf32, #tpu.memory_space<hbm>>
      %dma_wait3A_761 = tpu.memref_squeeze %dma_wait3A_760 : memref<1x50x64xf32, #tpu.memory_space<hbm>> -> memref<50x64xf32, #tpu.memory_space<hbm>>
      %dma_wait3A_762 = arith.constant 0 : i32
      %dma_wait3A_763 = arith.constant 0 : i32
      %dma_wait3A_764 = tpu.memref_slice %arg7[%dma_wait3A_746, %dma_wait3A_762, %dma_wait3A_763] : memref<4x200x64xf32, #tpu.memory_space<vmem>> -> memref<1x200x64xf32, #tpu.memory_space<vmem>>
      %dma_wait3A_765 = tpu.memref_squeeze %dma_wait3A_764 : memref<1x200x64xf32, #tpu.memory_space<vmem>> -> memref<200x64xf32, #tpu.memory_space<vmem>>
      %dma_wait3A_766 = arith.constant 50 : i32
      %dma_wait3A_767 = arith.constant 0 : i32
      %dma_wait3A_768 = tpu.memref_slice %dma_wait3A_765[%dma_wait3A_766, %dma_wait3A_767] : memref<200x64xf32, #tpu.memory_space<vmem>> -> memref<50x64xf32, #tpu.memory_space<vmem>>
      tpu.wait_dma2 semaphore(%arg13 : memref<!tpu.dma_semaphore, #tpu.memory_space<semaphore_mem>>) src(%dma_wait3A_768 : memref<50x64xf32, #tpu.memory_space<vmem>>) dst(%dma_wait3A_761 : memref<50x64xf32, #tpu.memory_space<hbm>>)
      %mul3A_769 = arith.constant 4 : i32
      %mul3A_770 = arith.muli %add3A_712, %mul3A_769 : i32
      %add3A_771 = arith.addi %mul3A_2, %mul3A_770 : i32
      %add3A_772 = arith.constant 2 : i32
      %add3A_773 = arith.addi %add3A_771, %add3A_772 : i32
      %dma_wait3A_774 = arith.constant 1 : i32
      %dma_wait3A_775 = arith.constant 0 : i32
      %dma_wait3A_776 = arith.constant 0 : i32
      %dma_wait3A_777 = tpu.memref_slice %arg7[%dma_wait3A_774, %dma_wait3A_775, %dma_wait3A_776] : memref<4x200x64xf32, #tpu.memory_space<vmem>> -> memref<1x200x64xf32, #tpu.memory_space<vmem>>
      %dma_wait3A_778 = tpu.memref_squeeze %dma_wait3A_777 : memref<1x200x64xf32, #tpu.memory_space<vmem>> -> memref<200x64xf32, #tpu.memory_space<vmem>>
      %dma_wait3A_779 = arith.constant 100 : i32
      %dma_wait3A_780 = arith.constant 0 : i32
      %dma_wait3A_781 = tpu.memref_slice %dma_wait3A_778[%dma_wait3A_779, %dma_wait3A_780] : memref<200x64xf32, #tpu.memory_space<vmem>> -> memref<50x64xf32, #tpu.memory_space<vmem>>
      %dma_wait3A_782 = arith.constant 0 : i32
      %dma_wait3A_783 = arith.constant 0 : i32
      %dma_wait3A_784 = tpu.memref_slice %arg4[%add3A_773, %dma_wait3A_782, %dma_wait3A_783] : memref<16384x50x64xf32, #tpu.memory_space<hbm>> -> memref<1x50x64xf32, #tpu.memory_space<hbm>>
      %dma_wait3A_785 = tpu.memref_squeeze %dma_wait3A_784 : memref<1x50x64xf32, #tpu.memory_space<hbm>> -> memref<50x64xf32, #tpu.memory_space<hbm>>
      %dma_wait3A_786 = arith.constant 0 : i32
      %dma_wait3A_787 = arith.constant 0 : i32
      %dma_wait3A_788 = tpu.memref_slice %arg4[%add3A_773, %dma_wait3A_786, %dma_wait3A_787] : memref<16384x50x64xf32, #tpu.memory_space<hbm>> -> memref<1x50x64xf32, #tpu.memory_space<hbm>>
      %dma_wait3A_789 = tpu.memref_squeeze %dma_wait3A_788 : memref<1x50x64xf32, #tpu.memory_space<hbm>> -> memref<50x64xf32, #tpu.memory_space<hbm>>
      %dma_wait3A_790 = arith.constant 0 : i32
      %dma_wait3A_791 = arith.constant 0 : i32
      %dma_wait3A_792 = tpu.memref_slice %arg7[%dma_wait3A_774, %dma_wait3A_790, %dma_wait3A_791] : memref<4x200x64xf32, #tpu.memory_space<vmem>> -> memref<1x200x64xf32, #tpu.memory_space<vmem>>
      %dma_wait3A_793 = tpu.memref_squeeze %dma_wait3A_792 : memref<1x200x64xf32, #tpu.memory_space<vmem>> -> memref<200x64xf32, #tpu.memory_space<vmem>>
      %dma_wait3A_794 = arith.constant 100 : i32
      %dma_wait3A_795 = arith.constant 0 : i32
      %dma_wait3A_796 = tpu.memref_slice %dma_wait3A_793[%dma_wait3A_794, %dma_wait3A_795] : memref<200x64xf32, #tpu.memory_space<vmem>> -> memref<50x64xf32, #tpu.memory_space<vmem>>
      tpu.wait_dma2 semaphore(%arg13 : memref<!tpu.dma_semaphore, #tpu.memory_space<semaphore_mem>>) src(%dma_wait3A_796 : memref<50x64xf32, #tpu.memory_space<vmem>>) dst(%dma_wait3A_789 : memref<50x64xf32, #tpu.memory_space<hbm>>)
      %mul3A_797 = arith.constant 4 : i32
      %mul3A_798 = arith.muli %add3A_712, %mul3A_797 : i32
      %add3A_799 = arith.addi %mul3A_2, %mul3A_798 : i32
      %add3A_800 = arith.constant 3 : i32
      %add3A_801 = arith.addi %add3A_799, %add3A_800 : i32
      %dma_wait3A_802 = arith.constant 1 : i32
      %dma_wait3A_803 = arith.constant 0 : i32
      %dma_wait3A_804 = arith.constant 0 : i32
      %dma_wait3A_805 = tpu.memref_slice %arg7[%dma_wait3A_802, %dma_wait3A_803, %dma_wait3A_804] : memref<4x200x64xf32, #tpu.memory_space<vmem>> -> memref<1x200x64xf32, #tpu.memory_space<vmem>>
      %dma_wait3A_806 = tpu.memref_squeeze %dma_wait3A_805 : memref<1x200x64xf32, #tpu.memory_space<vmem>> -> memref<200x64xf32, #tpu.memory_space<vmem>>
      %dma_wait3A_807 = arith.constant 150 : i32
      %dma_wait3A_808 = arith.constant 0 : i32
      %dma_wait3A_809 = tpu.memref_slice %dma_wait3A_806[%dma_wait3A_807, %dma_wait3A_808] : memref<200x64xf32, #tpu.memory_space<vmem>> -> memref<50x64xf32, #tpu.memory_space<vmem>>
      %dma_wait3A_810 = arith.constant 0 : i32
      %dma_wait3A_811 = arith.constant 0 : i32
      %dma_wait3A_812 = tpu.memref_slice %arg4[%add3A_801, %dma_wait3A_810, %dma_wait3A_811] : memref<16384x50x64xf32, #tpu.memory_space<hbm>> -> memref<1x50x64xf32, #tpu.memory_space<hbm>>
      %dma_wait3A_813 = tpu.memref_squeeze %dma_wait3A_812 : memref<1x50x64xf32, #tpu.memory_space<hbm>> -> memref<50x64xf32, #tpu.memory_space<hbm>>
      %dma_wait3A_814 = arith.constant 0 : i32
      %dma_wait3A_815 = arith.constant 0 : i32
      %dma_wait3A_816 = tpu.memref_slice %arg4[%add3A_801, %dma_wait3A_814, %dma_wait3A_815] : memref<16384x50x64xf32, #tpu.memory_space<hbm>> -> memref<1x50x64xf32, #tpu.memory_space<hbm>>
      %dma_wait3A_817 = tpu.memref_squeeze %dma_wait3A_816 : memref<1x50x64xf32, #tpu.memory_space<hbm>> -> memref<50x64xf32, #tpu.memory_space<hbm>>
      %dma_wait3A_818 = arith.constant 0 : i32
      %dma_wait3A_819 = arith.constant 0 : i32
      %dma_wait3A_820 = tpu.memref_slice %arg7[%dma_wait3A_802, %dma_wait3A_818, %dma_wait3A_819] : memref<4x200x64xf32, #tpu.memory_space<vmem>> -> memref<1x200x64xf32, #tpu.memory_space<vmem>>
      %dma_wait3A_821 = tpu.memref_squeeze %dma_wait3A_820 : memref<1x200x64xf32, #tpu.memory_space<vmem>> -> memref<200x64xf32, #tpu.memory_space<vmem>>
      %dma_wait3A_822 = arith.constant 150 : i32
      %dma_wait3A_823 = arith.constant 0 : i32
      %dma_wait3A_824 = tpu.memref_slice %dma_wait3A_821[%dma_wait3A_822, %dma_wait3A_823] : memref<200x64xf32, #tpu.memory_space<vmem>> -> memref<50x64xf32, #tpu.memory_space<vmem>>
      tpu.wait_dma2 semaphore(%arg13 : memref<!tpu.dma_semaphore, #tpu.memory_space<semaphore_mem>>) src(%dma_wait3A_824 : memref<50x64xf32, #tpu.memory_space<vmem>>) dst(%dma_wait3A_817 : memref<50x64xf32, #tpu.memory_space<hbm>>)
      %add3A_825 = arith.constant 1 : i32
      %add3A_826 = arith.addi %mul3A_81, %add3A_825 : i32
      %add3A_827 = arith.constant 4 : i32
      %add3A_828 = arith.addi %add3A_826, %add3A_827 : i32
      %lt3A_829 = arith.constant 128 : i32
      %lt3A_830 = arith.cmpi slt, %add3A_828, %lt3A_829 : i32
      %add3A_831 = arith.constant 1 : i32
      %add3A_832 = arith.addi %mul3A_81, %add3A_831 : i32
      %convert_element_type3A_833 = arith.extui %lt3A_830 : i1 to i32
      %cond3A_834 = arith.constant 0 : i32
      %cond3A_835 = arith.cmpi ne, %convert_element_type3A_833, %cond3A_834 : i32
      scf.if %cond3A_835 {
        %add3A_1086 = arith.constant 4 : i32
        %add3A_1087 = arith.addi %add3A_832, %add3A_1086 : i32
        %mul3A_1088 = arith.constant 200 : i32
        %mul3A_1089 = arith.muli %add3A_1087, %mul3A_1088 : i32
        %dma_start3A_1090 = arith.constant 1 : i32
        %dma_start3A_1091 = arith.constant 0 : i32
        %dma_start3A_1092 = arith.constant 0 : i32
        %dma_start3A_1093 = tpu.memref_slice %arg7[%dma_start3A_1090, %dma_start3A_1091, %dma_start3A_1092] : memref<4x200x64xf32, #tpu.memory_space<vmem>> -> memref<1x200x64xf32, #tpu.memory_space<vmem>>
        %dma_start3A_1094 = tpu.memref_squeeze %dma_start3A_1093 : memref<1x200x64xf32, #tpu.memory_space<vmem>> -> memref<200x64xf32, #tpu.memory_space<vmem>>
        %dma_start3A_1095 = tpu.memref_slice %arg6[%mul3A_1089] : memref<25600xi32, #tpu.memory_space<vmem>> -> memref<200xi32, #tpu.memory_space<vmem>>
        %dma_start3A_1096 = arith.constant 0 : i32
        %dma_start3A_1097 = arith.constant 0 : i32
        %dma_start3A_1098 = tpu.memref_slice %arg2[%dma_start3A_1096, %dma_start3A_1097] : memref<1000000x64xf32, #tpu.memory_space<hbm>> -> memref<1000000x64xf32, #tpu.memory_space<hbm>>
        tpu.enqueue_indirect_dma source(%dma_start3A_1098 : memref<1000000x64xf32, #tpu.memory_space<hbm>>) target(%dma_start3A_1094 : memref<200x64xf32, #tpu.memory_space<vmem>>) offsets(%dma_start3A_1095 : memref<200xi32, #tpu.memory_space<vmem>>) semaphore(%arg9 : memref<!tpu.dma_semaphore, #tpu.memory_space<semaphore_mem>>)
      } else {
      }
      %add3A_836 = arith.constant 2 : i32
      %add3A_837 = arith.addi %mul3A_81, %add3A_836 : i32
      %mul3A_838 = arith.constant 4 : i32
      %mul3A_839 = arith.muli %add3A_837, %mul3A_838 : i32
      %add3A_840 = arith.addi %mul3A_2, %mul3A_839 : i32
      %add3A_841 = arith.constant 0 : i32
      %add3A_842 = arith.addi %add3A_840, %add3A_841 : i32
      %dma_wait3A_843 = arith.constant 2 : i32
      %dma_wait3A_844 = arith.constant 0 : i32
      %dma_wait3A_845 = arith.constant 0 : i32
      %dma_wait3A_846 = tpu.memref_slice %arg7[%dma_wait3A_843, %dma_wait3A_844, %dma_wait3A_845] : memref<4x200x64xf32, #tpu.memory_space<vmem>> -> memref<1x200x64xf32, #tpu.memory_space<vmem>>
      %dma_wait3A_847 = tpu.memref_squeeze %dma_wait3A_846 : memref<1x200x64xf32, #tpu.memory_space<vmem>> -> memref<200x64xf32, #tpu.memory_space<vmem>>
      %dma_wait3A_848 = arith.constant 0 : i32
      %dma_wait3A_849 = arith.constant 0 : i32
      %dma_wait3A_850 = tpu.memref_slice %dma_wait3A_847[%dma_wait3A_848, %dma_wait3A_849] : memref<200x64xf32, #tpu.memory_space<vmem>> -> memref<50x64xf32, #tpu.memory_space<vmem>>
      %dma_wait3A_851 = arith.constant 0 : i32
      %dma_wait3A_852 = arith.constant 0 : i32
      %dma_wait3A_853 = tpu.memref_slice %arg4[%add3A_842, %dma_wait3A_851, %dma_wait3A_852] : memref<16384x50x64xf32, #tpu.memory_space<hbm>> -> memref<1x50x64xf32, #tpu.memory_space<hbm>>
      %dma_wait3A_854 = tpu.memref_squeeze %dma_wait3A_853 : memref<1x50x64xf32, #tpu.memory_space<hbm>> -> memref<50x64xf32, #tpu.memory_space<hbm>>
      %dma_wait3A_855 = arith.constant 0 : i32
      %dma_wait3A_856 = arith.constant 0 : i32
      %dma_wait3A_857 = tpu.memref_slice %arg4[%add3A_842, %dma_wait3A_855, %dma_wait3A_856] : memref<16384x50x64xf32, #tpu.memory_space<hbm>> -> memref<1x50x64xf32, #tpu.memory_space<hbm>>
      %dma_wait3A_858 = tpu.memref_squeeze %dma_wait3A_857 : memref<1x50x64xf32, #tpu.memory_space<hbm>> -> memref<50x64xf32, #tpu.memory_space<hbm>>
      %dma_wait3A_859 = arith.constant 0 : i32
      %dma_wait3A_860 = arith.constant 0 : i32
      %dma_wait3A_861 = tpu.memref_slice %arg7[%dma_wait3A_843, %dma_wait3A_859, %dma_wait3A_860] : memref<4x200x64xf32, #tpu.memory_space<vmem>> -> memref<1x200x64xf32, #tpu.memory_space<vmem>>
      %dma_wait3A_862 = tpu.memref_squeeze %dma_wait3A_861 : memref<1x200x64xf32, #tpu.memory_space<vmem>> -> memref<200x64xf32, #tpu.memory_space<vmem>>
      %dma_wait3A_863 = arith.constant 0 : i32
      %dma_wait3A_864 = arith.constant 0 : i32
      %dma_wait3A_865 = tpu.memref_slice %dma_wait3A_862[%dma_wait3A_863, %dma_wait3A_864] : memref<200x64xf32, #tpu.memory_space<vmem>> -> memref<50x64xf32, #tpu.memory_space<vmem>>
      tpu.wait_dma2 semaphore(%arg14 : memref<!tpu.dma_semaphore, #tpu.memory_space<semaphore_mem>>) src(%dma_wait3A_865 : memref<50x64xf32, #tpu.memory_space<vmem>>) dst(%dma_wait3A_858 : memref<50x64xf32, #tpu.memory_space<hbm>>)
      %mul3A_866 = arith.constant 4 : i32
      %mul3A_867 = arith.muli %add3A_837, %mul3A_866 : i32
      %add3A_868 = arith.addi %mul3A_2, %mul3A_867 : i32
      %add3A_869 = arith.constant 1 : i32
      %add3A_870 = arith.addi %add3A_868, %add3A_869 : i32
      %dma_wait3A_871 = arith.constant 2 : i32
      %dma_wait3A_872 = arith.constant 0 : i32
      %dma_wait3A_873 = arith.constant 0 : i32
      %dma_wait3A_874 = tpu.memref_slice %arg7[%dma_wait3A_871, %dma_wait3A_872, %dma_wait3A_873] : memref<4x200x64xf32, #tpu.memory_space<vmem>> -> memref<1x200x64xf32, #tpu.memory_space<vmem>>
      %dma_wait3A_875 = tpu.memref_squeeze %dma_wait3A_874 : memref<1x200x64xf32, #tpu.memory_space<vmem>> -> memref<200x64xf32, #tpu.memory_space<vmem>>
      %dma_wait3A_876 = arith.constant 50 : i32
      %dma_wait3A_877 = arith.constant 0 : i32
      %dma_wait3A_878 = tpu.memref_slice %dma_wait3A_875[%dma_wait3A_876, %dma_wait3A_877] : memref<200x64xf32, #tpu.memory_space<vmem>> -> memref<50x64xf32, #tpu.memory_space<vmem>>
      %dma_wait3A_879 = arith.constant 0 : i32
      %dma_wait3A_880 = arith.constant 0 : i32
      %dma_wait3A_881 = tpu.memref_slice %arg4[%add3A_870, %dma_wait3A_879, %dma_wait3A_880] : memref<16384x50x64xf32, #tpu.memory_space<hbm>> -> memref<1x50x64xf32, #tpu.memory_space<hbm>>
      %dma_wait3A_882 = tpu.memref_squeeze %dma_wait3A_881 : memref<1x50x64xf32, #tpu.memory_space<hbm>> -> memref<50x64xf32, #tpu.memory_space<hbm>>
      %dma_wait3A_883 = arith.constant 0 : i32
      %dma_wait3A_884 = arith.constant 0 : i32
      %dma_wait3A_885 = tpu.memref_slice %arg4[%add3A_870, %dma_wait3A_883, %dma_wait3A_884] : memref<16384x50x64xf32, #tpu.memory_space<hbm>> -> memref<1x50x64xf32, #tpu.memory_space<hbm>>
      %dma_wait3A_886 = tpu.memref_squeeze %dma_wait3A_885 : memref<1x50x64xf32, #tpu.memory_space<hbm>> -> memref<50x64xf32, #tpu.memory_space<hbm>>
      %dma_wait3A_887 = arith.constant 0 : i32
      %dma_wait3A_888 = arith.constant 0 : i32
      %dma_wait3A_889 = tpu.memref_slice %arg7[%dma_wait3A_871, %dma_wait3A_887, %dma_wait3A_888] : memref<4x200x64xf32, #tpu.memory_space<vmem>> -> memref<1x200x64xf32, #tpu.memory_space<vmem>>
      %dma_wait3A_890 = tpu.memref_squeeze %dma_wait3A_889 : memref<1x200x64xf32, #tpu.memory_space<vmem>> -> memref<200x64xf32, #tpu.memory_space<vmem>>
      %dma_wait3A_891 = arith.constant 50 : i32
      %dma_wait3A_892 = arith.constant 0 : i32
      %dma_wait3A_893 = tpu.memref_slice %dma_wait3A_890[%dma_wait3A_891, %dma_wait3A_892] : memref<200x64xf32, #tpu.memory_space<vmem>> -> memref<50x64xf32, #tpu.memory_space<vmem>>
      tpu.wait_dma2 semaphore(%arg14 : memref<!tpu.dma_semaphore, #tpu.memory_space<semaphore_mem>>) src(%dma_wait3A_893 : memref<50x64xf32, #tpu.memory_space<vmem>>) dst(%dma_wait3A_886 : memref<50x64xf32, #tpu.memory_space<hbm>>)
      %mul3A_894 = arith.constant 4 : i32
      %mul3A_895 = arith.muli %add3A_837, %mul3A_894 : i32
      %add3A_896 = arith.addi %mul3A_2, %mul3A_895 : i32
      %add3A_897 = arith.constant 2 : i32
      %add3A_898 = arith.addi %add3A_896, %add3A_897 : i32
      %dma_wait3A_899 = arith.constant 2 : i32
      %dma_wait3A_900 = arith.constant 0 : i32
      %dma_wait3A_901 = arith.constant 0 : i32
      %dma_wait3A_902 = tpu.memref_slice %arg7[%dma_wait3A_899, %dma_wait3A_900, %dma_wait3A_901] : memref<4x200x64xf32, #tpu.memory_space<vmem>> -> memref<1x200x64xf32, #tpu.memory_space<vmem>>
      %dma_wait3A_903 = tpu.memref_squeeze %dma_wait3A_902 : memref<1x200x64xf32, #tpu.memory_space<vmem>> -> memref<200x64xf32, #tpu.memory_space<vmem>>
      %dma_wait3A_904 = arith.constant 100 : i32
      %dma_wait3A_905 = arith.constant 0 : i32
      %dma_wait3A_906 = tpu.memref_slice %dma_wait3A_903[%dma_wait3A_904, %dma_wait3A_905] : memref<200x64xf32, #tpu.memory_space<vmem>> -> memref<50x64xf32, #tpu.memory_space<vmem>>
      %dma_wait3A_907 = arith.constant 0 : i32
      %dma_wait3A_908 = arith.constant 0 : i32
      %dma_wait3A_909 = tpu.memref_slice %arg4[%add3A_898, %dma_wait3A_907, %dma_wait3A_908] : memref<16384x50x64xf32, #tpu.memory_space<hbm>> -> memref<1x50x64xf32, #tpu.memory_space<hbm>>
      %dma_wait3A_910 = tpu.memref_squeeze %dma_wait3A_909 : memref<1x50x64xf32, #tpu.memory_space<hbm>> -> memref<50x64xf32, #tpu.memory_space<hbm>>
      %dma_wait3A_911 = arith.constant 0 : i32
      %dma_wait3A_912 = arith.constant 0 : i32
      %dma_wait3A_913 = tpu.memref_slice %arg4[%add3A_898, %dma_wait3A_911, %dma_wait3A_912] : memref<16384x50x64xf32, #tpu.memory_space<hbm>> -> memref<1x50x64xf32, #tpu.memory_space<hbm>>
      %dma_wait3A_914 = tpu.memref_squeeze %dma_wait3A_913 : memref<1x50x64xf32, #tpu.memory_space<hbm>> -> memref<50x64xf32, #tpu.memory_space<hbm>>
      %dma_wait3A_915 = arith.constant 0 : i32
      %dma_wait3A_916 = arith.constant 0 : i32
      %dma_wait3A_917 = tpu.memref_slice %arg7[%dma_wait3A_899, %dma_wait3A_915, %dma_wait3A_916] : memref<4x200x64xf32, #tpu.memory_space<vmem>> -> memref<1x200x64xf32, #tpu.memory_space<vmem>>
      %dma_wait3A_918 = tpu.memref_squeeze %dma_wait3A_917 : memref<1x200x64xf32, #tpu.memory_space<vmem>> -> memref<200x64xf32, #tpu.memory_space<vmem>>
      %dma_wait3A_919 = arith.constant 100 : i32
      %dma_wait3A_920 = arith.constant 0 : i32
      %dma_wait3A_921 = tpu.memref_slice %dma_wait3A_918[%dma_wait3A_919, %dma_wait3A_920] : memref<200x64xf32, #tpu.memory_space<vmem>> -> memref<50x64xf32, #tpu.memory_space<vmem>>
      tpu.wait_dma2 semaphore(%arg14 : memref<!tpu.dma_semaphore, #tpu.memory_space<semaphore_mem>>) src(%dma_wait3A_921 : memref<50x64xf32, #tpu.memory_space<vmem>>) dst(%dma_wait3A_914 : memref<50x64xf32, #tpu.memory_space<hbm>>)
      %mul3A_922 = arith.constant 4 : i32
      %mul3A_923 = arith.muli %add3A_837, %mul3A_922 : i32
      %add3A_924 = arith.addi %mul3A_2, %mul3A_923 : i32
      %add3A_925 = arith.constant 3 : i32
      %add3A_926 = arith.addi %add3A_924, %add3A_925 : i32
      %dma_wait3A_927 = arith.constant 2 : i32
      %dma_wait3A_928 = arith.constant 0 : i32
      %dma_wait3A_929 = arith.constant 0 : i32
      %dma_wait3A_930 = tpu.memref_slice %arg7[%dma_wait3A_927, %dma_wait3A_928, %dma_wait3A_929] : memref<4x200x64xf32, #tpu.memory_space<vmem>> -> memref<1x200x64xf32, #tpu.memory_space<vmem>>
      %dma_wait3A_931 = tpu.memref_squeeze %dma_wait3A_930 : memref<1x200x64xf32, #tpu.memory_space<vmem>> -> memref<200x64xf32, #tpu.memory_space<vmem>>
      %dma_wait3A_932 = arith.constant 150 : i32
      %dma_wait3A_933 = arith.constant 0 : i32
      %dma_wait3A_934 = tpu.memref_slice %dma_wait3A_931[%dma_wait3A_932, %dma_wait3A_933] : memref<200x64xf32, #tpu.memory_space<vmem>> -> memref<50x64xf32, #tpu.memory_space<vmem>>
      %dma_wait3A_935 = arith.constant 0 : i32
      %dma_wait3A_936 = arith.constant 0 : i32
      %dma_wait3A_937 = tpu.memref_slice %arg4[%add3A_926, %dma_wait3A_935, %dma_wait3A_936] : memref<16384x50x64xf32, #tpu.memory_space<hbm>> -> memref<1x50x64xf32, #tpu.memory_space<hbm>>
      %dma_wait3A_938 = tpu.memref_squeeze %dma_wait3A_937 : memref<1x50x64xf32, #tpu.memory_space<hbm>> -> memref<50x64xf32, #tpu.memory_space<hbm>>
      %dma_wait3A_939 = arith.constant 0 : i32
      %dma_wait3A_940 = arith.constant 0 : i32
      %dma_wait3A_941 = tpu.memref_slice %arg4[%add3A_926, %dma_wait3A_939, %dma_wait3A_940] : memref<16384x50x64xf32, #tpu.memory_space<hbm>> -> memref<1x50x64xf32, #tpu.memory_space<hbm>>
      %dma_wait3A_942 = tpu.memref_squeeze %dma_wait3A_941 : memref<1x50x64xf32, #tpu.memory_space<hbm>> -> memref<50x64xf32, #tpu.memory_space<hbm>>
      %dma_wait3A_943 = arith.constant 0 : i32
      %dma_wait3A_944 = arith.constant 0 : i32
      %dma_wait3A_945 = tpu.memref_slice %arg7[%dma_wait3A_927, %dma_wait3A_943, %dma_wait3A_944] : memref<4x200x64xf32, #tpu.memory_space<vmem>> -> memref<1x200x64xf32, #tpu.memory_space<vmem>>
      %dma_wait3A_946 = tpu.memref_squeeze %dma_wait3A_945 : memref<1x200x64xf32, #tpu.memory_space<vmem>> -> memref<200x64xf32, #tpu.memory_space<vmem>>
      %dma_wait3A_947 = arith.constant 150 : i32
      %dma_wait3A_948 = arith.constant 0 : i32
      %dma_wait3A_949 = tpu.memref_slice %dma_wait3A_946[%dma_wait3A_947, %dma_wait3A_948] : memref<200x64xf32, #tpu.memory_space<vmem>> -> memref<50x64xf32, #tpu.memory_space<vmem>>
      tpu.wait_dma2 semaphore(%arg14 : memref<!tpu.dma_semaphore, #tpu.memory_space<semaphore_mem>>) src(%dma_wait3A_949 : memref<50x64xf32, #tpu.memory_space<vmem>>) dst(%dma_wait3A_942 : memref<50x64xf32, #tpu.memory_space<hbm>>)
      %add3A_950 = arith.constant 2 : i32
      %add3A_951 = arith.addi %mul3A_81, %add3A_950 : i32
      %add3A_952 = arith.constant 4 : i32
      %add3A_953 = arith.addi %add3A_951, %add3A_952 : i32
      %lt3A_954 = arith.constant 128 : i32
      %lt3A_955 = arith.cmpi slt, %add3A_953, %lt3A_954 : i32
      %add3A_956 = arith.constant 2 : i32
      %add3A_957 = arith.addi %mul3A_81, %add3A_956 : i32
      %convert_element_type3A_958 = arith.extui %lt3A_955 : i1 to i32
      %cond3A_959 = arith.constant 0 : i32
      %cond3A_960 = arith.cmpi ne, %convert_element_type3A_958, %cond3A_959 : i32
      scf.if %cond3A_960 {
        %add3A_1086 = arith.constant 4 : i32
        %add3A_1087 = arith.addi %add3A_957, %add3A_1086 : i32
        %mul3A_1088 = arith.constant 200 : i32
        %mul3A_1089 = arith.muli %add3A_1087, %mul3A_1088 : i32
        %dma_start3A_1090 = arith.constant 2 : i32
        %dma_start3A_1091 = arith.constant 0 : i32
        %dma_start3A_1092 = arith.constant 0 : i32
        %dma_start3A_1093 = tpu.memref_slice %arg7[%dma_start3A_1090, %dma_start3A_1091, %dma_start3A_1092] : memref<4x200x64xf32, #tpu.memory_space<vmem>> -> memref<1x200x64xf32, #tpu.memory_space<vmem>>
        %dma_start3A_1094 = tpu.memref_squeeze %dma_start3A_1093 : memref<1x200x64xf32, #tpu.memory_space<vmem>> -> memref<200x64xf32, #tpu.memory_space<vmem>>
        %dma_start3A_1095 = tpu.memref_slice %arg6[%mul3A_1089] : memref<25600xi32, #tpu.memory_space<vmem>> -> memref<200xi32, #tpu.memory_space<vmem>>
        %dma_start3A_1096 = arith.constant 0 : i32
        %dma_start3A_1097 = arith.constant 0 : i32
        %dma_start3A_1098 = tpu.memref_slice %arg2[%dma_start3A_1096, %dma_start3A_1097] : memref<1000000x64xf32, #tpu.memory_space<hbm>> -> memref<1000000x64xf32, #tpu.memory_space<hbm>>
        tpu.enqueue_indirect_dma source(%dma_start3A_1098 : memref<1000000x64xf32, #tpu.memory_space<hbm>>) target(%dma_start3A_1094 : memref<200x64xf32, #tpu.memory_space<vmem>>) offsets(%dma_start3A_1095 : memref<200xi32, #tpu.memory_space<vmem>>) semaphore(%arg10 : memref<!tpu.dma_semaphore, #tpu.memory_space<semaphore_mem>>)
      } else {
      }
      %add3A_961 = arith.constant 3 : i32
      %add3A_962 = arith.addi %mul3A_81, %add3A_961 : i32
      %mul3A_963 = arith.constant 4 : i32
      %mul3A_964 = arith.muli %add3A_962, %mul3A_963 : i32
      %add3A_965 = arith.addi %mul3A_2, %mul3A_964 : i32
      %add3A_966 = arith.constant 0 : i32
      %add3A_967 = arith.addi %add3A_965, %add3A_966 : i32
      %dma_wait3A_968 = arith.constant 3 : i32
      %dma_wait3A_969 = arith.constant 0 : i32
      %dma_wait3A_970 = arith.constant 0 : i32
      %dma_wait3A_971 = tpu.memref_slice %arg7[%dma_wait3A_968, %dma_wait3A_969, %dma_wait3A_970] : memref<4x200x64xf32, #tpu.memory_space<vmem>> -> memref<1x200x64xf32, #tpu.memory_space<vmem>>
      %dma_wait3A_972 = tpu.memref_squeeze %dma_wait3A_971 : memref<1x200x64xf32, #tpu.memory_space<vmem>> -> memref<200x64xf32, #tpu.memory_space<vmem>>
      %dma_wait3A_973 = arith.constant 0 : i32
      %dma_wait3A_974 = arith.constant 0 : i32
      %dma_wait3A_975 = tpu.memref_slice %dma_wait3A_972[%dma_wait3A_973, %dma_wait3A_974] : memref<200x64xf32, #tpu.memory_space<vmem>> -> memref<50x64xf32, #tpu.memory_space<vmem>>
      %dma_wait3A_976 = arith.constant 0 : i32
      %dma_wait3A_977 = arith.constant 0 : i32
      %dma_wait3A_978 = tpu.memref_slice %arg4[%add3A_967, %dma_wait3A_976, %dma_wait3A_977] : memref<16384x50x64xf32, #tpu.memory_space<hbm>> -> memref<1x50x64xf32, #tpu.memory_space<hbm>>
      %dma_wait3A_979 = tpu.memref_squeeze %dma_wait3A_978 : memref<1x50x64xf32, #tpu.memory_space<hbm>> -> memref<50x64xf32, #tpu.memory_space<hbm>>
      %dma_wait3A_980 = arith.constant 0 : i32
      %dma_wait3A_981 = arith.constant 0 : i32
      %dma_wait3A_982 = tpu.memref_slice %arg4[%add3A_967, %dma_wait3A_980, %dma_wait3A_981] : memref<16384x50x64xf32, #tpu.memory_space<hbm>> -> memref<1x50x64xf32, #tpu.memory_space<hbm>>
      %dma_wait3A_983 = tpu.memref_squeeze %dma_wait3A_982 : memref<1x50x64xf32, #tpu.memory_space<hbm>> -> memref<50x64xf32, #tpu.memory_space<hbm>>
      %dma_wait3A_984 = arith.constant 0 : i32
      %dma_wait3A_985 = arith.constant 0 : i32
      %dma_wait3A_986 = tpu.memref_slice %arg7[%dma_wait3A_968, %dma_wait3A_984, %dma_wait3A_985] : memref<4x200x64xf32, #tpu.memory_space<vmem>> -> memref<1x200x64xf32, #tpu.memory_space<vmem>>
      %dma_wait3A_987 = tpu.memref_squeeze %dma_wait3A_986 : memref<1x200x64xf32, #tpu.memory_space<vmem>> -> memref<200x64xf32, #tpu.memory_space<vmem>>
      %dma_wait3A_988 = arith.constant 0 : i32
      %dma_wait3A_989 = arith.constant 0 : i32
      %dma_wait3A_990 = tpu.memref_slice %dma_wait3A_987[%dma_wait3A_988, %dma_wait3A_989] : memref<200x64xf32, #tpu.memory_space<vmem>> -> memref<50x64xf32, #tpu.memory_space<vmem>>
      tpu.wait_dma2 semaphore(%arg15 : memref<!tpu.dma_semaphore, #tpu.memory_space<semaphore_mem>>) src(%dma_wait3A_990 : memref<50x64xf32, #tpu.memory_space<vmem>>) dst(%dma_wait3A_983 : memref<50x64xf32, #tpu.memory_space<hbm>>)
      %mul3A_991 = arith.constant 4 : i32
      %mul3A_992 = arith.muli %add3A_962, %mul3A_991 : i32
      %add3A_993 = arith.addi %mul3A_2, %mul3A_992 : i32
      %add3A_994 = arith.constant 1 : i32
      %add3A_995 = arith.addi %add3A_993, %add3A_994 : i32
      %dma_wait3A_996 = arith.constant 3 : i32
      %dma_wait3A_997 = arith.constant 0 : i32
      %dma_wait3A_998 = arith.constant 0 : i32
      %dma_wait3A_999 = tpu.memref_slice %arg7[%dma_wait3A_996, %dma_wait3A_997, %dma_wait3A_998] : memref<4x200x64xf32, #tpu.memory_space<vmem>> -> memref<1x200x64xf32, #tpu.memory_space<vmem>>
      %dma_wait3A_1000 = tpu.memref_squeeze %dma_wait3A_999 : memref<1x200x64xf32, #tpu.memory_space<vmem>> -> memref<200x64xf32, #tpu.memory_space<vmem>>
      %dma_wait3A_1001 = arith.constant 50 : i32
      %dma_wait3A_1002 = arith.constant 0 : i32
      %dma_wait3A_1003 = tpu.memref_slice %dma_wait3A_1000[%dma_wait3A_1001, %dma_wait3A_1002] : memref<200x64xf32, #tpu.memory_space<vmem>> -> memref<50x64xf32, #tpu.memory_space<vmem>>
      %dma_wait3A_1004 = arith.constant 0 : i32
      %dma_wait3A_1005 = arith.constant 0 : i32
      %dma_wait3A_1006 = tpu.memref_slice %arg4[%add3A_995, %dma_wait3A_1004, %dma_wait3A_1005] : memref<16384x50x64xf32, #tpu.memory_space<hbm>> -> memref<1x50x64xf32, #tpu.memory_space<hbm>>
      %dma_wait3A_1007 = tpu.memref_squeeze %dma_wait3A_1006 : memref<1x50x64xf32, #tpu.memory_space<hbm>> -> memref<50x64xf32, #tpu.memory_space<hbm>>
      %dma_wait3A_1008 = arith.constant 0 : i32
      %dma_wait3A_1009 = arith.constant 0 : i32
      %dma_wait3A_1010 = tpu.memref_slice %arg4[%add3A_995, %dma_wait3A_1008, %dma_wait3A_1009] : memref<16384x50x64xf32, #tpu.memory_space<hbm>> -> memref<1x50x64xf32, #tpu.memory_space<hbm>>
      %dma_wait3A_1011 = tpu.memref_squeeze %dma_wait3A_1010 : memref<1x50x64xf32, #tpu.memory_space<hbm>> -> memref<50x64xf32, #tpu.memory_space<hbm>>
      %dma_wait3A_1012 = arith.constant 0 : i32
      %dma_wait3A_1013 = arith.constant 0 : i32
      %dma_wait3A_1014 = tpu.memref_slice %arg7[%dma_wait3A_996, %dma_wait3A_1012, %dma_wait3A_1013] : memref<4x200x64xf32, #tpu.memory_space<vmem>> -> memref<1x200x64xf32, #tpu.memory_space<vmem>>
      %dma_wait3A_1015 = tpu.memref_squeeze %dma_wait3A_1014 : memref<1x200x64xf32, #tpu.memory_space<vmem>> -> memref<200x64xf32, #tpu.memory_space<vmem>>
      %dma_wait3A_1016 = arith.constant 50 : i32
      %dma_wait3A_1017 = arith.constant 0 : i32
      %dma_wait3A_1018 = tpu.memref_slice %dma_wait3A_1015[%dma_wait3A_1016, %dma_wait3A_1017] : memref<200x64xf32, #tpu.memory_space<vmem>> -> memref<50x64xf32, #tpu.memory_space<vmem>>
      tpu.wait_dma2 semaphore(%arg15 : memref<!tpu.dma_semaphore, #tpu.memory_space<semaphore_mem>>) src(%dma_wait3A_1018 : memref<50x64xf32, #tpu.memory_space<vmem>>) dst(%dma_wait3A_1011 : memref<50x64xf32, #tpu.memory_space<hbm>>)
      %mul3A_1019 = arith.constant 4 : i32
      %mul3A_1020 = arith.muli %add3A_962, %mul3A_1019 : i32
      %add3A_1021 = arith.addi %mul3A_2, %mul3A_1020 : i32
      %add3A_1022 = arith.constant 2 : i32
      %add3A_1023 = arith.addi %add3A_1021, %add3A_1022 : i32
      %dma_wait3A_1024 = arith.constant 3 : i32
      %dma_wait3A_1025 = arith.constant 0 : i32
      %dma_wait3A_1026 = arith.constant 0 : i32
      %dma_wait3A_1027 = tpu.memref_slice %arg7[%dma_wait3A_1024, %dma_wait3A_1025, %dma_wait3A_1026] : memref<4x200x64xf32, #tpu.memory_space<vmem>> -> memref<1x200x64xf32, #tpu.memory_space<vmem>>
      %dma_wait3A_1028 = tpu.memref_squeeze %dma_wait3A_1027 : memref<1x200x64xf32, #tpu.memory_space<vmem>> -> memref<200x64xf32, #tpu.memory_space<vmem>>
      %dma_wait3A_1029 = arith.constant 100 : i32
      %dma_wait3A_1030 = arith.constant 0 : i32
      %dma_wait3A_1031 = tpu.memref_slice %dma_wait3A_1028[%dma_wait3A_1029, %dma_wait3A_1030] : memref<200x64xf32, #tpu.memory_space<vmem>> -> memref<50x64xf32, #tpu.memory_space<vmem>>
      %dma_wait3A_1032 = arith.constant 0 : i32
      %dma_wait3A_1033 = arith.constant 0 : i32
      %dma_wait3A_1034 = tpu.memref_slice %arg4[%add3A_1023, %dma_wait3A_1032, %dma_wait3A_1033] : memref<16384x50x64xf32, #tpu.memory_space<hbm>> -> memref<1x50x64xf32, #tpu.memory_space<hbm>>
      %dma_wait3A_1035 = tpu.memref_squeeze %dma_wait3A_1034 : memref<1x50x64xf32, #tpu.memory_space<hbm>> -> memref<50x64xf32, #tpu.memory_space<hbm>>
      %dma_wait3A_1036 = arith.constant 0 : i32
      %dma_wait3A_1037 = arith.constant 0 : i32
      %dma_wait3A_1038 = tpu.memref_slice %arg4[%add3A_1023, %dma_wait3A_1036, %dma_wait3A_1037] : memref<16384x50x64xf32, #tpu.memory_space<hbm>> -> memref<1x50x64xf32, #tpu.memory_space<hbm>>
      %dma_wait3A_1039 = tpu.memref_squeeze %dma_wait3A_1038 : memref<1x50x64xf32, #tpu.memory_space<hbm>> -> memref<50x64xf32, #tpu.memory_space<hbm>>
      %dma_wait3A_1040 = arith.constant 0 : i32
      %dma_wait3A_1041 = arith.constant 0 : i32
      %dma_wait3A_1042 = tpu.memref_slice %arg7[%dma_wait3A_1024, %dma_wait3A_1040, %dma_wait3A_1041] : memref<4x200x64xf32, #tpu.memory_space<vmem>> -> memref<1x200x64xf32, #tpu.memory_space<vmem>>
      %dma_wait3A_1043 = tpu.memref_squeeze %dma_wait3A_1042 : memref<1x200x64xf32, #tpu.memory_space<vmem>> -> memref<200x64xf32, #tpu.memory_space<vmem>>
      %dma_wait3A_1044 = arith.constant 100 : i32
      %dma_wait3A_1045 = arith.constant 0 : i32
      %dma_wait3A_1046 = tpu.memref_slice %dma_wait3A_1043[%dma_wait3A_1044, %dma_wait3A_1045] : memref<200x64xf32, #tpu.memory_space<vmem>> -> memref<50x64xf32, #tpu.memory_space<vmem>>
      tpu.wait_dma2 semaphore(%arg15 : memref<!tpu.dma_semaphore, #tpu.memory_space<semaphore_mem>>) src(%dma_wait3A_1046 : memref<50x64xf32, #tpu.memory_space<vmem>>) dst(%dma_wait3A_1039 : memref<50x64xf32, #tpu.memory_space<hbm>>)
      %mul3A_1047 = arith.constant 4 : i32
      %mul3A_1048 = arith.muli %add3A_962, %mul3A_1047 : i32
      %add3A_1049 = arith.addi %mul3A_2, %mul3A_1048 : i32
      %add3A_1050 = arith.constant 3 : i32
      %add3A_1051 = arith.addi %add3A_1049, %add3A_1050 : i32
      %dma_wait3A_1052 = arith.constant 3 : i32
      %dma_wait3A_1053 = arith.constant 0 : i32
      %dma_wait3A_1054 = arith.constant 0 : i32
      %dma_wait3A_1055 = tpu.memref_slice %arg7[%dma_wait3A_1052, %dma_wait3A_1053, %dma_wait3A_1054] : memref<4x200x64xf32, #tpu.memory_space<vmem>> -> memref<1x200x64xf32, #tpu.memory_space<vmem>>
      %dma_wait3A_1056 = tpu.memref_squeeze %dma_wait3A_1055 : memref<1x200x64xf32, #tpu.memory_space<vmem>> -> memref<200x64xf32, #tpu.memory_space<vmem>>
      %dma_wait3A_1057 = arith.constant 150 : i32
      %dma_wait3A_1058 = arith.constant 0 : i32
      %dma_wait3A_1059 = tpu.memref_slice %dma_wait3A_1056[%dma_wait3A_1057, %dma_wait3A_1058] : memref<200x64xf32, #tpu.memory_space<vmem>> -> memref<50x64xf32, #tpu.memory_space<vmem>>
      %dma_wait3A_1060 = arith.constant 0 : i32
      %dma_wait3A_1061 = arith.constant 0 : i32
      %dma_wait3A_1062 = tpu.memref_slice %arg4[%add3A_1051, %dma_wait3A_1060, %dma_wait3A_1061] : memref<16384x50x64xf32, #tpu.memory_space<hbm>> -> memref<1x50x64xf32, #tpu.memory_space<hbm>>
      %dma_wait3A_1063 = tpu.memref_squeeze %dma_wait3A_1062 : memref<1x50x64xf32, #tpu.memory_space<hbm>> -> memref<50x64xf32, #tpu.memory_space<hbm>>
      %dma_wait3A_1064 = arith.constant 0 : i32
      %dma_wait3A_1065 = arith.constant 0 : i32
      %dma_wait3A_1066 = tpu.memref_slice %arg4[%add3A_1051, %dma_wait3A_1064, %dma_wait3A_1065] : memref<16384x50x64xf32, #tpu.memory_space<hbm>> -> memref<1x50x64xf32, #tpu.memory_space<hbm>>
      %dma_wait3A_1067 = tpu.memref_squeeze %dma_wait3A_1066 : memref<1x50x64xf32, #tpu.memory_space<hbm>> -> memref<50x64xf32, #tpu.memory_space<hbm>>
      %dma_wait3A_1068 = arith.constant 0 : i32
      %dma_wait3A_1069 = arith.constant 0 : i32
      %dma_wait3A_1070 = tpu.memref_slice %arg7[%dma_wait3A_1052, %dma_wait3A_1068, %dma_wait3A_1069] : memref<4x200x64xf32, #tpu.memory_space<vmem>> -> memref<1x200x64xf32, #tpu.memory_space<vmem>>
      %dma_wait3A_1071 = tpu.memref_squeeze %dma_wait3A_1070 : memref<1x200x64xf32, #tpu.memory_space<vmem>> -> memref<200x64xf32, #tpu.memory_space<vmem>>
      %dma_wait3A_1072 = arith.constant 150 : i32
      %dma_wait3A_1073 = arith.constant 0 : i32
      %dma_wait3A_1074 = tpu.memref_slice %dma_wait3A_1071[%dma_wait3A_1072, %dma_wait3A_1073] : memref<200x64xf32, #tpu.memory_space<vmem>> -> memref<50x64xf32, #tpu.memory_space<vmem>>
      tpu.wait_dma2 semaphore(%arg15 : memref<!tpu.dma_semaphore, #tpu.memory_space<semaphore_mem>>) src(%dma_wait3A_1074 : memref<50x64xf32, #tpu.memory_space<vmem>>) dst(%dma_wait3A_1067 : memref<50x64xf32, #tpu.memory_space<hbm>>)
      %add3A_1075 = arith.constant 3 : i32
      %add3A_1076 = arith.addi %mul3A_81, %add3A_1075 : i32
      %add3A_1077 = arith.constant 4 : i32
      %add3A_1078 = arith.addi %add3A_1076, %add3A_1077 : i32
      %lt3A_1079 = arith.constant 128 : i32
      %lt3A_1080 = arith.cmpi slt, %add3A_1078, %lt3A_1079 : i32
      %add3A_1081 = arith.constant 3 : i32
      %add3A_1082 = arith.addi %mul3A_81, %add3A_1081 : i32
      %convert_element_type3A_1083 = arith.extui %lt3A_1080 : i1 to i32
      %cond3A_1084 = arith.constant 0 : i32
      %cond3A_1085 = arith.cmpi ne, %convert_element_type3A_1083, %cond3A_1084 : i32
      scf.if %cond3A_1085 {
        %add3A_1086 = arith.constant 4 : i32
        %add3A_1087 = arith.addi %add3A_1082, %add3A_1086 : i32
        %mul3A_1088 = arith.constant 200 : i32
        %mul3A_1089 = arith.muli %add3A_1087, %mul3A_1088 : i32
        %dma_start3A_1090 = arith.constant 3 : i32
        %dma_start3A_1091 = arith.constant 0 : i32
        %dma_start3A_1092 = arith.constant 0 : i32
        %dma_start3A_1093 = tpu.memref_slice %arg7[%dma_start3A_1090, %dma_start3A_1091, %dma_start3A_1092] : memref<4x200x64xf32, #tpu.memory_space<vmem>> -> memref<1x200x64xf32, #tpu.memory_space<vmem>>
        %dma_start3A_1094 = tpu.memref_squeeze %dma_start3A_1093 : memref<1x200x64xf32, #tpu.memory_space<vmem>> -> memref<200x64xf32, #tpu.memory_space<vmem>>
        %dma_start3A_1095 = tpu.memref_slice %arg6[%mul3A_1089] : memref<25600xi32, #tpu.memory_space<vmem>> -> memref<200xi32, #tpu.memory_space<vmem>>
        %dma_start3A_1096 = arith.constant 0 : i32
        %dma_start3A_1097 = arith.constant 0 : i32
        %dma_start3A_1098 = tpu.memref_slice %arg2[%dma_start3A_1096, %dma_start3A_1097] : memref<1000000x64xf32, #tpu.memory_space<hbm>> -> memref<1000000x64xf32, #tpu.memory_space<hbm>>
        tpu.enqueue_indirect_dma source(%dma_start3A_1098 : memref<1000000x64xf32, #tpu.memory_space<hbm>>) target(%dma_start3A_1094 : memref<200x64xf32, #tpu.memory_space<vmem>>) offsets(%dma_start3A_1095 : memref<200xi32, #tpu.memory_space<vmem>>) semaphore(%arg11 : memref<!tpu.dma_semaphore, #tpu.memory_space<semaphore_mem>>)
      } else {
      }
    }
    %scan3A_78 = arith.constant 32 : i32
    return
  }
}

</mosaic_0001>

<sc_bundles>
// kernel: kernel.3.cloned.1.call-start
scs
__scs_entry_jumppad:
0x0: {  	(pc) =	sbr.rel $0x88, $3  }
0x1: {  	(tag) =	ssettag $0x0;
	lr =	simm.s32 $0x1  }
0x2: {  	[smem:$0x3F9F] =	sst lr;
	_ =	strace $0xD0000000  }
0x3: {  	_ = 	snop  }
0x4: {  	_ = 	snop  }
0x5: {  	_ = 	snop  }
0x6: {  	_ = 	snop  }
0x7: {  	_ = 	snop  }
__scs_overlays_trampoline_lowered:
0x8: {  	[smem:$0x3FAE] =	sst s0  }
0x9: {  	[smem:$0x3FAF] =	sst s1  }
0xa: {  	[smem:$0x3FB0] =	sst s2  }
0xb: {  	[smem:$0x3FB1] =	sst s3  }
0xc: {  	[smem:$0x3FB2] =	sst s4  }
0xd: {  	[smem:$0x3FB3] =	sst s5  }
0xe: {  	[smem:$0x3FB4] =	sst s6  }
0xf: {  	[smem:$0x3FB5] =	sst s7  }
0x10: {  	[smem:$0x3FB6] =	sst s8  }
0x11: {  	[smem:$0x3FB7] =	sst s9;
	s0 =	simm.s32 @!p0 $0x0  }
0x12: {  	s1 =	sld [smem:$0x3F9D];
	s0 =	simm.s32 @p0 $0x1  }
0x13: {  	[smem:$0x3FB8] =	sst s0;
	s0 =	simm.s32 @!p1 $0x0  }
0x14: {  	s2 =	sld [smem:$0x3F9C];
	s0 =	simm.s32 @p1 $0x1  }
0x15: {  	[smem:$0x3FB9] =	sst s0;
	s0 =	simm.s32 @!p2 $0x0  }
0x16: {  	s3 =	sld [smem:$0x3FDB];
	s0 =	simm.s32 @p2 $0x1  }
0x17: {  	s4 =	simm.s32 $0x1BF5;
	[smem:$0x3FBB] =	sst s0  }
0x18: {  	s0 =	sld [smem:$0x3F9E];
	_ =	swait.ge [sflag:s4], $0x0  }
0x19: {  	s7 =	sld [smem:$0x3F9F]  }
0x1a: {  	s8 =	sadd.s32 $0xFFFFE003, lr  }
0x1b: {  	s9 =	sadd.s32 $0xFFFFFEF7, lr;
	s5 =	simm.s32 $0xFFFFFFFF;
	p2 =	slt.u32 s8, $0xFFFFF086  }
0x1c: {  	p1 =	slt.u32 s9, $0xF7A;
	s5 =	simm.s32 @!p2 $0x0  }
0x1d: {  	s5 =	simm.s32 @p1 $0x1;
	p0 =	seq.s32 s7, s2  }
0x1e: {  	s7 =	smul.u32 @!p0 $0xF7A, s2;
	p2 =	seq.s32 @!p0 s5, $0x0  }
0x1f: {  	s9 =	smul.u32 $0xF7A, s1;
	s8 =	simm.s32 @!p0 $0x1BF5;
	p2 =	por !p2, p0  }
0x20: {  	[sflag:s8] =	ssyncset.s32 @!p0 $0xFFFFF086;
	s6 =	sadd.s32 @!p0 s3, s7;
	s7 =	simm.s32 @!p0 $0x108  }
0x21: {  	s3 =	sadd.s32 s3, s9;
	s6 =	sadd.s32 @!p0 $0x88, s6;
	s7 =	simm.s32 @p2 $0x1082  }
0x22: {  	[simem:s7], [sflag:s8] =	dma.local @!p0 [hbm:s6], $0xF7A  }
0x23: {  	s9 =	sor.u32 $0xD0000000, s2;
	s6 =	simm.s32 $0x108;
	_ =	swait.ge @!p0 [sflag:s8], $0x0  }
0x24: {  	s3 =	sadd.s32 $0x88, s3;
	s6 =	simm.s32 @!p1 $0x1082;
	[sflag:s4] =	ssyncset.s32 $0xFFFFF086  }
0x25: {  	[simem:s6], [sflag:s4] =	dma.local [hbm:s3], $0xF7A  }
0x26: {  	[smem:$0x3F9F] =	sst s1;
	(tag) =	ssettag s2;
	_ =	strace s9  }
0x27: {  	s1 =	sld [smem:$0x3FAF]  }
0x28: {  	s2 =	sld [smem:$0x3FB0]  }
0x29: {  	s4 =	sld [smem:$0x3FB2]  }
0x2a: {  	p0 =	seq.s32 s5, $0x0;
	s5 =	sld [smem:$0x3FB3]  }
0x2b: {  	s6 =	sld [smem:$0x3FB4]  }
0x2c: {  	s7 =	sld [smem:$0x3FB5]  }
0x2d: {  	s3 =	simm.s32 $0x108;
	s8 =	sld [smem:$0x3FB6]  }
0x2e: {  	s3 =	simm.s32 @!p0 $0x1082;
	s9 =	sld [smem:$0x3FB7]  }
0x2f: {  	lr =	sadd.s32 s0, s3;
	s0 =	sld [smem:$0x3FAE]  }
0x30: {  	s3 =	sld [smem:$0x3FB1]  }
0x31: {  	[smem:$0x3FBA] =	sst s10  }
0x32: {  	s10 =	sld [smem:$0x3FB8];
	_ =	sdelay $0x3  }
0x33: {  	p0 =	seq.s32 s10, $0x1;
	s10 =	sld [smem:$0x3FBA];
	_ =	sdelay $0x3  }
0x34: {  	[smem:$0x3FBA] =	sst s10  }
0x35: {  	s10 =	sld [smem:$0x3FB9];
	_ =	sdelay $0x3  }
0x36: {  	p1 =	seq.s32 s10, $0x1;
	s10 =	sld [smem:$0x3FBA];
	_ =	sdelay $0x3  }
0x37: {  	[smem:$0x3FBA] =	sst s10  }
0x38: {  	s10 =	sld [smem:$0x3FBB]  }
0x39: {  	_ = 	snop;
	(pc) =	sbr.ind lr, $3  }
0x3a: {  	_ = 	snop  }
0x3b: {  	_ = 	snop  }
0x3c: {  	p2 =	seq.s32 s10, $0x1;
	s10 =	sld [smem:$0x3FBA]  }
0x3d: {  	_ =	shalt  }
0x3e: {  	_ =	shalt  }
0x3f: {  	_ =	shalt  }
0x40: {  	_ =	shalt  }
0x41: {  	_ =	shalt  }
0x42: {  	_ =	shalt  }
0x43: {  	_ =	shalt  }
0x44: {  	_ =	shalt  }
0x45: {  	_ =	shalt  }
0x46: {  	_ =	shalt  }
0x47: {  	_ =	shalt  }
0x48: {  	_ =	shalt  }
0x49: {  	_ =	shalt  }
0x4a: {  	_ =	shalt  }
0x4b: {  	_ =	shalt  }
0x4c: {  	_ =	shalt  }
0x4d: {  	_ =	shalt  }
0x4e: {  	_ =	shalt  }
0x4f: {  	_ =	shalt  }
0x50: {  	_ =	shalt  }
0x51: {  	_ =	shalt  }
0x52: {  	_ =	shalt  }
0x53: {  	_ =	shalt  }
0x54: {  	_ =	shalt  }
0x55: {  	_ =	shalt  }
0x56: {  	_ =	shalt  }
0x57: {  	_ =	shalt  }
0x58: {  	_ =	shalt  }
0x59: {  	_ =	shalt  }
0x5a: {  	_ =	shalt  }
0x5b: {  	_ =	shalt  }
0x5c: {  	_ =	shalt  }
0x5d: {  	_ =	shalt  }
0x5e: {  	_ =	shalt  }
0x5f: {  	_ =	shalt  }
0x60: {  	_ =	shalt  }
0x61: {  	_ =	shalt  }
0x62: {  	_ =	shalt  }
0x63: {  	_ =	shalt  }
0x64: {  	_ =	shalt  }
0x65: {  	_ =	shalt  }
0x66: {  	_ =	shalt  }
0x67: {  	_ =	shalt  }
0x68: {  	_ =	shalt  }
0x69: {  	_ =	shalt  }
0x6a: {  	_ =	shalt  }
0x6b: {  	_ =	shalt  }
0x6c: {  	_ =	shalt  }
0x6d: {  	_ =	shalt  }
0x6e: {  	_ =	shalt  }
0x6f: {  	_ =	shalt  }
0x70: {  	_ =	shalt  }
0x71: {  	_ =	shalt  }
0x72: {  	_ =	shalt  }
0x73: {  	_ =	shalt  }
0x74: {  	_ =	shalt  }
0x75: {  	_ =	shalt  }
0x76: {  	_ =	shalt  }
0x77: {  	_ =	shalt  }
0x78: {  	_ =	shalt  }
0x79: {  	_ =	shalt  }
0x7a: {  	_ =	shalt  }
0x7b: {  	_ =	shalt  }
0x7c: {  	_ =	shalt  }
0x7d: {  	_ =	shalt  }
0x7e: {  	_ =	shalt  }
0x7f: {  	_ =	shalt  }
0x80: {  	_ =	shalt  }
0x81: {  	_ =	shalt  }
0x82: {  	_ =	shalt  }
0x83: {  	_ =	shalt  }
0x84: {  	_ =	shalt  }
0x85: {  	_ =	shalt  }
0x86: {  	_ =	shalt  }
0x87: {  	_ =	shalt  }
.Lfunc_end0:
.L_simem_size_0:
called_computation.1_lowered:
.L_overlay_start_0:
0x88: {  	s2 =	sld [smem:$0x3FD9]  }
0x89: {  	s3 =	sld [smem:$0x3FFE];
	_ =	sdelay $0x1  }
0x8a: {  	s1 =	srdreg.scid  }
0x8b: {  	s0 =	sand.u32 $0x1, s1  }
0x8c: {  	s17 =	sshll.u32 s0, $0xA;
	s2 =	sadd.s32 s3, s2  }
0x8d: {  	s2 =	sadd.s32 s2, s17  }
0x8e: {  	[smem:$0x3FC6] =	sst s2  }
0x8f: {  	_ = 	snop  }
0x90: {  	s2 =	sld [smem:$0x3FD0];
	(tm) =	ssettm $0x1  }
0x91: {  	s18 =	sld [smem:$0x3FFB];
	_ =	sdelay $0x3  }
0x92: {  	_ =	strace s18  }
0x93: {  	s3 =	sld [smem:$0x3FFC];
	_ =	sdelay $0x3  }
0x94: {  	_ =	strace s3  }
0x95: {  	s3 =	sld [smem:$0x3FFD];
	_ =	sdelay $0x3  }
0x96: {  	_ =	strace s3  }
0x97: {  	_ =	strace $0x8FFFFFFF  }
0x98: {  	s19 =	sld [smem:$0x3FDB];
	_ =	sdelay $0x1  }
0x99: {  	s4 =	simm.s32 $_scs_section_size  }
0x9a: {  	s5 =	simm.s32 $_size__tile_overlayer_lowered;
	s6 =	simm.s32 $_tile_overlayer_lowered  }
0x9b: {  	s22 =	simm.s32 $0x1BFF;
	s21 =	sshll.u32 s6, $0x1;
	s3 =	sadd.s32 s4, s19  }
0x9c: {  	s7 =	simm.s32 $0x0;
	s20 =	sshll.u32 s5, $0x1;
	s5 =	sadd.s32 s21, s3  }
0x9d: {  	[timem:s7], [sflag:s22] =	dma.local [hbm:s5], s20  }
0x9e: {  	_ =	swait.ge [sflag:s22], s20  }
0x9f: {  	s4 =	ssub.s32 $0x0, s20;
	[sflag:s22] =	ssyncset.done $0x0  }
0xa0: {  	[sflag:s22] =	ssyncadd.s32 s4;
	_ =	sdelay $0x1  }
0xa1: {  	s23 =	simm.s32 $0x1B8B  }
0xa2: {  	_ =	swait.ge [sflag:s23], $0x1  }
0xa3: {  	[sflag:s23] =	ssyncset.done $0x0  }
0xa4: {  	s25 =	simm.s32 $0x1B8E;
	s24 =	sld [smem:$0x3FFE];
	[sflag:s23] =	ssyncadd.s32 $0xFFFFFFFF  }
0xa5: {  	s26 =	simm.s32 $execute0_lowered;
	[smem:$0x3FD2] =	sst s25  }
0xa6: {  	s5 =	sshll.u32 s26, $0x1;
	_ =	strace $0x80000046;
	[dreg:$0x1] =	wrdreg $0xFFFFFFFF  }
0xa7: {  	s28 =	simm.s32 $_size_execute0_lowered;
	s3 =	sadd.s32 s3, s5;
	[dreg:$0x0] =	wrdreg $0x0  }
0xa8: {  	s5 =	sshll.u32 s28, $0x1;
	[dreg:$0x2] =	wrdreg s3  }
0xa9: {  	[dreg:$0x3] =	wrdreg s5  }
0xaa: {  	[dreg:$0x4] =	wrdreg $0xC0  }
0xab: {  	_ =	task [dreg:s7], $0x5FFFF  }
0xac: {  	[dreg:$0x1] =	wrdreg $0xFFFFFFFF  }
0xad: {  	[dreg:$0x0] =	wrdreg $0x60  }
0xae: {  	[dreg:$0x2] =	wrdreg s24  }
0xaf: {  	[dreg:$0x3] =	wrdreg s2  }
0xb0: {  	[dreg:$0x4] =	wrdreg $0x9  }
0xb1: {  	_ =	task.clear_ibuf [dreg:s7], $0x5FFFF;
	_ =	strace $0x90000046  }
0xb2: {  	s29 =	simm.s32 $0x9;
	_ =	strace $0x80000048  }
0xb3: {  	_ =	swait.ge [sflag:s29], $0x1  }
0xb4: {  	[sflag:s29] =	ssyncadd.s32 $0xFFFFFFFF  }
0xb5: {  	_ =	strace $0x90000048  }
0xb6: {  	_ =	sfence  }
0xb7: {  	s30 =	sld [smem:$0x0];
	_ =	sdelay $0x2  }
0xb8: {  	s31 =	sshll.u32 s1, $0xD;
	s1 =	sshrl.u32 s1, $0x2  }
0xb9: {  	s3 =	sand.u32 $0x4000, s31;
	s1 =	sadd.s32 s1, s30  }
0xba: {  	s0 =	sor.u32 s3, s0;
	s1 =	sshll.u32 s1, $0x11  }
0xbb: {  	s0 =	sor.u32 s1, s0  }
0xbc: {  	s0 =	sadd.s32 $0x8F2B, s0  }
0xbd: {  	[sflag:s0] =	ssyncadd.remote.s32 $0x1  }
0xbe: {  	_ =	sfence.sel $0xFFFF  }
0xbf: {  	[dreg:$0x0] =	wrdreg $0xFFFFFFFF;
	(pc) =	sbr.abs _section_cstart, $3  }
0xc0: {  	[dreg:$0x1] =	wrdreg $0xFFFFFFFF  }
0xc1: {  	_ =	task.clear_ibuf [dreg:s7], $0x2FFFF;
	_ =	strace $0x9FFFFFFF  }
0xc2: {  	(tm) =	ssettm $0x7FFFFFFF  }
0xc3: {  	_ =	shalt  }
tec
execute0_lowered:
.L_overlay_start_1:
0x0: {  	(tag) =	ssettag $0x1  }
0x1: {  	s1 =	rddreg [dreg:$0x0]  }
0x2: {  	s0 =	rddreg [dreg:$0x1];
	s2 =	simm.s32 $0x0;
	s3 =	srdreg.scid  }
0x3: {  	s10 =	stileid.u32;
	s29 =	simm.s32 $0x4;
	s28 =	simm.s32 $0x7  }
0x4: {  	[smem:$0x7FF] =	sst s2;
	s4 =	sand.u32 $0x1, s3;
	s6 =	smul.u32 $0x320000, s10  }
0x5: {  	s23 =	sshll.u32 s10, $0xE;
	s3 =	sadd.s32 $0xF42E00, s1;
	s11 =	smul.u32 $0x64000, s10  }
0x6: {  	_ =	strace $0x80000047;
	s5 =	sshll.u32 s4, $0xD;
	s7 =	ssub.s32 $0x2, s4  }
0x7: {  	s8 =	smul.u32 $0x190000, s4;
	s5 =	sor.u32 s5, s23;
	s24 =	sshrl.u32 s7, $0x1  }
0x8: {  	s4 =	smul.u32 $0x32000, s4;
	s1 =	sadd.s32 s5, s1;
	s5 =	ssub.s32 s7, s24  }
0x9: {  	s6 =	sadd.s32 s8, s6;
	s25 =	sadd.s32 $0xA00, s1;
	s26 =	sadd.s32 $0x1200, s1  }
0xa: {  	s30 =	sadd.s32 $0x1A00, s1;
	s31 =	sor.u32 $0xBB80, s6;
	s1 =	sadd.s32 $0x2200, s1  }
0xb: {  	s5 =	smax.u32 s5, $0x1;
	s8 =	sor.u32 $0xAF00, s6;
	[dreg:$0x3] =	wrdreg s25  }
0xc: {  	s12 =	sor.u32 $0xA280, s6;
	s14 =	sor.u32 $0x8980, s6;
	[dreg:$0x4] =	wrdreg s26  }
0xd: {  	s15 =	sor.u32 $0x7D00, s6;
	s16 =	sor.u32 $0x7080, s6;
	[dreg:$0x5] =	wrdreg s30  }
0xe: {  	s19 =	sor.u32 $0x5780, s6;
	s20 =	sor.u32 $0x4B00, s6;
	[dreg:$0x6] =	wrdreg s1  }
0xf: {  	s21 =	sor.u32 $0x3E80, s6;
	s24 =	sor.u32 $0x2580, s6;
	[dreg:$0x7] =	wrdreg s5  }
0x10: {  	s7 =	sshrl.u32 s31, $0x3;
	s1 =	sshrl.u32 s8, $0x3;
	s13 =	sshrl.u32 s12, $0x3  }
0x11: {  	s5 =	sadd.s32 s11, s0;
	s17 =	sshrl.u32 s15, $0x3;
	s18 =	sshrl.u32 s16, $0x3  }
0x12: {  	s22 =	sshrl.u32 s20, $0x3;
	s23 =	sshrl.u32 s21, $0x3;
	s25 =	sor.u32 $0x1900, s6  }
0x13: {  	s26 =	sor.u32 $0xC80, s6;
	s8 =	simm.s32 $0x3;
	s6 =	simm.s32 $0x15F80  }
0x14: {  	s9 =	sadd.s32 s7, s0;
	s10 =	sadd.s32 s1, s0;
	s11 =	sadd.s32 s13, s0  }
0x15: {  	s12 =	sadd.s32 s4, s5;
	s1 =	sshrl.u32 s14, $0x3;
	s14 =	sadd.s32 s17, s0  }
0x16: {  	s15 =	sadd.s32 s18, s0;
	s17 =	sadd.s32 s22, s0;
	s18 =	sadd.s32 s23, s0  }
0x17: {  	s30 =	sshrl.u32 s25, $0x3;
	s31 =	sshrl.u32 s26, $0x3;
	s23 =	simm.s32 $0xC8  }
.Ltmp0:
0x18: {  	s4 =	simm.s32 $0x2;
	s25 =	simm.s32 $0x5;
	(pc) =	sbr.rel .LBB2_1-.Ltmp0, $4  }
0x19: {  	s7 =	simm.s32 $0x6;
	s22 =	simm.s32 $0x0;
	s13 =	sadd.s32 s1, s0  }
0x1a: {  	s1 =	sshrl.u32 s19, $0x3;
	s20 =	sadd.s32 s30, s0;
	s21 =	sadd.s32 s31, s0  }
0x1b: {  	s16 =	sadd.s32 s1, s0;
	s1 =	sshrl.u32 s24, $0x3;
	s24 =	simm.s32 $0x8  }
0x1c: {  	s19 =	sadd.s32 s1, s0;
	s0 =	simm.s32 $0x13A00;
	s1 =	simm.s32 $0x1  }
.LBB2_12:
0x1d: {  	s22 =	rddreg [dreg:$0x8]  }
0x1e: {  	s5 =	rddreg [dreg:$0x7];
	s22 =	sadd.s32 $0x1, s22  }
0x1f: {  	p0 =	sne.s32 s22, s5  }
.Ltmp1:
0x20: {  	_ = 	snop;
	(pc) =	sbr.rel @!p0 .LBB2_13-.Ltmp1, $1  }
0x21: {  	_ =	sdelay $0x3  }
.LBB2_1:
0x22: {  	[dreg:$0x8] =	wrdreg s22  }
0x23: {  	s5 =	rddreg [dreg:$0x3];
	s26 =	simm.s32 $0x9  }
0x24: {  	[tilespmem:s2], [sflag:$0x9] =	stream.linear.gather [hbm4b:s5+s2], $0x4000, $0x38;
	[tilespmem:$0x16C00] =	vst v63  }
0x25: {  	_ =	swait.ge [sflag:s26], $0x4000  }
0x26: {  	[sflag:s26] =	ssyncset.done $0x0  }
0x27: {  	s22 =	simm.s32 $0x20;
	[sflag:s26] =	ssyncadd.s32 $0xFFFFC000  }
0x28: {  	v0 =	vld [tilespmem:s22+$0xFFFFFFE0];
	_ =	sdelay $0x3  }
0x29: {  	s5 =	simm.s32 $0x4000  }
0x2a: {  	[tilespmem:s5+$0x0] =	vst v0  }
0x2b: {  	v0 =	vld [tilespmem:s22+$0xFFFFFFF0];
	_ =	sdelay $0x3  }
0x2c: {  	s26 =	sand.u32 $0x1FFE, s2  }
0x2d: {  	[tilespmem:s26+$0x4010] =	vst v0  }
0x2e: {  	v0 =	vld [tilespmem:s22+$0x0];
	_ =	sdelay $0x4  }
0x2f: {  	[tilespmem:s26+$0x4020] =	vst v0  }
0x30: {  	v0 =	vld [tilespmem:s22+$0x2];
	_ =	sdelay $0x4  }
0x31: {  	s22 =	simm.s32 $0xA0;
	[tilespmem:s5+$0x22] =	vst v0  }
0x32: {  	s30 =	simm.s32 $0x32;
	s31 =	simm.s32 $0x64;
	s26 =	simm.s32 $0x4000;
	v0 =	vld [tilespmem:s22+$0xFFFFFFE0]  }
.LBB2_2:
0x33: {  	p0 =	sne.s32 s31, $0x18CE;
	_ =	sdelay $0x2  }
0x34: {  	s26 =	sadd.s32 $0x32, s26  }
0x35: {  	[tilespmem:s26+$0x0] =	vst v0  }
0x36: {  	v0 =	vld [tilespmem:s22+$0xFFFFFFF0];
	_ =	sdelay $0x3  }
0x37: {  	s5 =	sand.u32 $0x1FFE, s30;
	s30 =	smov.u32 s31  }
0x38: {  	[tilespmem:s5+$0x4010] =	vst v0  }
0x39: {  	v0 =	vld [tilespmem:s22+$0x0];
	_ =	sdelay $0x4  }
0x3a: {  	[tilespmem:s5+$0x4020] =	vst v0  }
0x3b: {  	v0 =	vld [tilespmem:s22+$0x2];
	_ =	sdelay $0x1  }
.Ltmp2:
0x3c: {  	(pc) =	sbr.rel @p0 .LBB2_2-.Ltmp2, $3  }
0x3d: {  	_ =	sdelay $0x1  }
0x3e: {  	s22 =	sadd.s32 $0x80, s22;
	[tilespmem:s26+$0x22] =	vst v0  }
0x3f: {  	s31 =	sadd.s32 $0x32, s31;
	v0 =	vld [tilespmem:s22+$0xFFFFFFE0]  }
0x40: {  	_ =	sdelay $0x2  }
0x41: {  	s5 =	sadd.s32 $0x32, s26  }
0x42: {  	[tilespmem:s5+$0x0] =	vst v0  }
0x43: {  	v0 =	vld [tilespmem:s22+$0xFFFFFFF0];
	_ =	sdelay $0x3  }
0x44: {  	s26 =	sand.u32 $0x1FFE, s30  }
0x45: {  	[tilespmem:s26+$0x4010] =	vst v0  }
0x46: {  	v0 =	vld [tilespmem:s22+$0x0];
	_ =	sdelay $0x4  }
0x47: {  	[tilespmem:s26+$0x4020] =	vst v0  }
0x48: {  	v0 =	vld [tilespmem:s22+$0x2];
	_ =	sdelay $0x4  }
0x49: {  	s26 =	rddreg [dreg:$0x4];
	[tilespmem:s5+$0x22] =	vst v0;
	s5 =	simm.s32 $0x0  }
0x4a: {  	[tilespmem:s5], [sflag:$0x9] =	stream.linear.gather [hbm4b:s26+s5], $0x4000, $0x38;
	[tilespmem:$0x16C00] =	vst v63  }
0x4b: {  	s26 =	simm.s32 $0x9  }
0x4c: {  	_ =	swait.ge [sflag:s26], $0x4000  }
0x4d: {  	[sflag:s26] =	ssyncset.done $0x0  }
0x4e: {  	[sflag:s26] =	ssyncadd.s32 $0xFFFFC000;
	s26 =	simm.s32 $0x20  }
0x4f: {  	v0 =	vld [tilespmem:s26+$0xFFFFFFE0];
	_ =	sdelay $0x3  }
0x50: {  	s5 =	sand.u32 $0x1FFE, s5  }
0x51: {  	[tilespmem:s5+$0x5900] =	vst v0  }
0x52: {  	v0 =	vld [tilespmem:s26+$0xFFFFFFF0];
	_ =	sdelay $0x4  }
0x53: {  	[tilespmem:s5+$0x5910] =	vst v0  }
0x54: {  	v0 =	vld [tilespmem:s26+$0x0];
	_ =	sdelay $0x4  }
0x55: {  	[tilespmem:s5+$0x5920] =	vst v0  }
0x56: {  	v0 =	vld [tilespmem:s26+$0x2];
	_ =	sdelay $0x3  }
0x57: {  	s22 =	simm.s32 $0x5922  }
0x58: {  	s30 =	simm.s32 $0xA0;
	[tilespmem:s22+$0x0] =	vst v0  }
0x59: {  	s31 =	simm.s32 $0x64;
	s26 =	simm.s32 $0x32;
	v0 =	vld [tilespmem:s30+$0xFFFFFFE0]  }
.LBB2_4:
0x5a: {  	p0 =	sne.s32 s31, $0x18CE;
	_ =	sdelay $0x2  }
0x5b: {  	s5 =	sand.u32 $0x1FFE, s26;
	s26 =	smov.u32 s31  }
0x5c: {  	[tilespmem:s5+$0x5900] =	vst v0  }
0x5d: {  	v0 =	vld [tilespmem:s30+$0xFFFFFFF0];
	_ =	sdelay $0x4  }
0x5e: {  	[tilespmem:s5+$0x5910] =	vst v0  }
0x5f: {  	v0 =	vld [tilespmem:s30+$0x0];
	_ =	sdelay $0x4  }
0x60: {  	[tilespmem:s5+$0x5920] =	vst v0  }
0x61: {  	v0 =	vld [tilespmem:s30+$0x2];
	_ =	sdelay $0x1  }
.Ltmp3:
0x62: {  	(pc) =	sbr.rel @p0 .LBB2_4-.Ltmp3, $4  }
0x63: {  	_ = 	snop  }
0x64: {  	s22 =	sadd.s32 $0x32, s22  }
0x65: {  	s30 =	sadd.s32 $0x80, s30;
	[tilespmem:s22+$0x0] =	vst v0  }
0x66: {  	s31 =	sadd.s32 $0x32, s31;
	v0 =	vld [tilespmem:s30+$0xFFFFFFE0]  }
0x67: {  	_ =	sdelay $0x2  }
0x68: {  	s5 =	sand.u32 $0x1FFE, s26  }
0x69: {  	[tilespmem:s5+$0x5900] =	vst v0  }
0x6a: {  	v0 =	vld [tilespmem:s30+$0xFFFFFFF0];
	_ =	sdelay $0x4  }
0x6b: {  	[tilespmem:s5+$0x5910] =	vst v0  }
0x6c: {  	v0 =	vld [tilespmem:s30+$0x0];
	_ =	sdelay $0x4  }
0x6d: {  	[tilespmem:s5+$0x5920] =	vst v0  }
0x6e: {  	v0 =	vld [tilespmem:s30+$0x2];
	_ =	sdelay $0x3  }
0x6f: {  	s22 =	sadd.s32 $0x32, s22  }
0x70: {  	s26 =	rddreg [dreg:$0x5];
	s5 =	simm.s32 $0x0;
	[tilespmem:s22+$0x0] =	vst v0  }
0x71: {  	[tilespmem:s5], [sflag:$0x9] =	stream.linear.gather [hbm4b:s26+s5], $0x4000, $0x38;
	[tilespmem:$0x16C00] =	vst v63  }
0x72: {  	s26 =	simm.s32 $0x9  }
0x73: {  	_ =	swait.ge [sflag:s26], $0x4000  }
0x74: {  	[sflag:s26] =	ssyncset.done $0x0  }
0x75: {  	[sflag:s26] =	ssyncadd.s32 $0xFFFFC000;
	s26 =	simm.s32 $0x20  }
0x76: {  	v0 =	vld [tilespmem:s26+$0xFFFFFFE0];
	_ =	sdelay $0x3  }
0x77: {  	s5 =	sand.u32 $0x1FFE, s5  }
0x78: {  	[tilespmem:s5+$0x7200] =	vst v0  }
0x79: {  	v0 =	vld [tilespmem:s26+$0xFFFFFFF0];
	_ =	sdelay $0x4  }
0x7a: {  	[tilespmem:s5+$0x7210] =	vst v0  }
0x7b: {  	v0 =	vld [tilespmem:s26+$0x0];
	_ =	sdelay $0x4  }
0x7c: {  	[tilespmem:s5+$0x7220] =	vst v0  }
0x7d: {  	v0 =	vld [tilespmem:s26+$0x2];
	_ =	sdelay $0x3  }
0x7e: {  	s22 =	simm.s32 $0x7222  }
0x7f: {  	s30 =	simm.s32 $0xA0;
	[tilespmem:s22+$0x0] =	vst v0  }
0x80: {  	s31 =	simm.s32 $0x64;
	s26 =	simm.s32 $0x32;
	v0 =	vld [tilespmem:s30+$0xFFFFFFE0]  }
.LBB2_6:
0x81: {  	p0 =	sne.s32 s31, $0x18CE;
	_ =	sdelay $0x2  }
0x82: {  	s5 =	sand.u32 $0x1FFE, s26;
	s26 =	smov.u32 s31  }
0x83: {  	[tilespmem:s5+$0x7200] =	vst v0  }
0x84: {  	v0 =	vld [tilespmem:s30+$0xFFFFFFF0];
	_ =	sdelay $0x4  }
0x85: {  	[tilespmem:s5+$0x7210] =	vst v0  }
0x86: {  	v0 =	vld [tilespmem:s30+$0x0];
	_ =	sdelay $0x4  }
0x87: {  	[tilespmem:s5+$0x7220] =	vst v0  }
0x88: {  	v0 =	vld [tilespmem:s30+$0x2];
	_ =	sdelay $0x1  }
.Ltmp4:
0x89: {  	(pc) =	sbr.rel @p0 .LBB2_6-.Ltmp4, $4  }
0x8a: {  	_ = 	snop  }
0x8b: {  	s22 =	sadd.s32 $0x32, s22  }
0x8c: {  	s30 =	sadd.s32 $0x80, s30;
	[tilespmem:s22+$0x0] =	vst v0  }
0x8d: {  	s31 =	sadd.s32 $0x32, s31;
	v0 =	vld [tilespmem:s30+$0xFFFFFFE0]  }
0x8e: {  	_ =	sdelay $0x2  }
0x8f: {  	s5 =	sand.u32 $0x1FFE, s26  }
0x90: {  	[tilespmem:s5+$0x7200] =	vst v0  }
0x91: {  	v0 =	vld [tilespmem:s30+$0xFFFFFFF0];
	_ =	sdelay $0x4  }
0x92: {  	[tilespmem:s5+$0x7210] =	vst v0  }
0x93: {  	v0 =	vld [tilespmem:s30+$0x0];
	_ =	sdelay $0x4  }
0x94: {  	[tilespmem:s5+$0x7220] =	vst v0  }
0x95: {  	v0 =	vld [tilespmem:s30+$0x2];
	_ =	sdelay $0x3  }
0x96: {  	s22 =	sadd.s32 $0x32, s22  }
0x97: {  	s26 =	rddreg [dreg:$0x6];
	s5 =	simm.s32 $0x0;
	[tilespmem:s22+$0x0] =	vst v0  }
0x98: {  	[tilespmem:s5], [sflag:$0x9] =	stream.linear.gather [hbm4b:s26+s5], $0x4000, $0x38;
	[tilespmem:$0x16C00] =	vst v63  }
0x99: {  	s26 =	simm.s32 $0x9  }
0x9a: {  	_ =	swait.ge [sflag:s26], $0x4000  }
0x9b: {  	[sflag:s26] =	ssyncset.done $0x0  }
0x9c: {  	[sflag:s26] =	ssyncadd.s32 $0xFFFFC000;
	s26 =	simm.s32 $0x20  }
0x9d: {  	v0 =	vld [tilespmem:s26+$0xFFFFFFE0];
	_ =	sdelay $0x3  }
0x9e: {  	s5 =	sand.u32 $0x1FFE, s5  }
0x9f: {  	[tilespmem:s5+$0x8B00] =	vst v0  }
0xa0: {  	v0 =	vld [tilespmem:s26+$0xFFFFFFF0];
	_ =	sdelay $0x4  }
0xa1: {  	[tilespmem:s5+$0x8B10] =	vst v0  }
0xa2: {  	v0 =	vld [tilespmem:s26+$0x0];
	_ =	sdelay $0x4  }
0xa3: {  	[tilespmem:s5+$0x8B20] =	vst v0  }
0xa4: {  	v0 =	vld [tilespmem:s26+$0x2];
	_ =	sdelay $0x3  }
0xa5: {  	s22 =	simm.s32 $0x8B22  }
0xa6: {  	s30 =	simm.s32 $0xA0;
	[tilespmem:s22+$0x0] =	vst v0  }
0xa7: {  	s31 =	simm.s32 $0x64;
	s26 =	simm.s32 $0x32;
	v0 =	vld [tilespmem:s30+$0xFFFFFFE0]  }
.LBB2_8:
0xa8: {  	p0 =	sne.s32 s31, $0x18CE;
	_ =	sdelay $0x2  }
0xa9: {  	s5 =	sand.u32 $0x1FFE, s26;
	s26 =	smov.u32 s31  }
0xaa: {  	[tilespmem:s5+$0x8B00] =	vst v0  }
0xab: {  	v0 =	vld [tilespmem:s30+$0xFFFFFFF0];
	_ =	sdelay $0x4  }
0xac: {  	[tilespmem:s5+$0x8B10] =	vst v0  }
0xad: {  	v0 =	vld [tilespmem:s30+$0x0];
	_ =	sdelay $0x4  }
0xae: {  	[tilespmem:s5+$0x8B20] =	vst v0  }
0xaf: {  	v0 =	vld [tilespmem:s30+$0x2];
	_ =	sdelay $0x1  }
.Ltmp5:
0xb0: {  	(pc) =	sbr.rel @p0 .LBB2_8-.Ltmp5, $4  }
0xb1: {  	_ = 	snop  }
0xb2: {  	s22 =	sadd.s32 $0x32, s22  }
0xb3: {  	s30 =	sadd.s32 $0x80, s30;
	[tilespmem:s22+$0x0] =	vst v0  }
0xb4: {  	s31 =	sadd.s32 $0x32, s31;
	v0 =	vld [tilespmem:s30+$0xFFFFFFE0]  }
0xb5: {  	_ =	sdelay $0x2  }
0xb6: {  	s5 =	sand.u32 $0x1FFE, s26  }
0xb7: {  	[tilespmem:s5+$0x8B00] =	vst v0  }
0xb8: {  	v0 =	vld [tilespmem:s30+$0xFFFFFFF0];
	_ =	sdelay $0x4  }
0xb9: {  	[tilespmem:s5+$0x8B10] =	vst v0  }
0xba: {  	v0 =	vld [tilespmem:s30+$0x0];
	_ =	sdelay $0x4  }
0xbb: {  	[tilespmem:s5+$0x8B20] =	vst v0  }
0xbc: {  	v0 =	vld [tilespmem:s30+$0x2];
	_ =	sdelay $0x3  }
0xbd: {  	s22 =	sadd.s32 $0x32, s22  }
0xbe: {  	s26 =	simm.s32 $0x4000;
	s31 =	simm.s32 $0xA400;
	[tilespmem:s22+$0x0] =	vst v0  }
0xbf: {  	[tilespmem:s31], [sflag:$0x1] =	stream.indirect.gather [hbm4b:s3+s23], $0x40, s26, s23, $0xb8;
	[tilespmem:$0x16C00] =	vst v63  }
0xc0: {  	s26 =	simm.s32 $0x40C8;
	s31 =	simm.s32 $0xD600  }
0xc1: {  	[tilespmem:s31], [sflag:$0x2] =	stream.indirect.gather [hbm4b:s3+s23], $0x40, s26, s23, $0xb8;
	[tilespmem:$0x16C00] =	vst v63  }
0xc2: {  	s22 =	simm.s32 $0x4190;
	s26 =	simm.s32 $0x10800  }
0xc3: {  	[tilespmem:s26], [sflag:$0x3] =	stream.indirect.gather [hbm4b:s3+s23], $0x40, s22, s23, $0xb8;
	[tilespmem:$0x16C00] =	vst v63  }
0xc4: {  	s30 =	simm.s32 $0x0;
	s31 =	simm.s32 $0x4258;
	s22 =	simm.s32 $0x4578  }
0xc5: {  	[tilespmem:s0], [sflag:$0x4] =	stream.indirect.gather [hbm4b:s3+s23], $0x40, s31, s23, $0xb8;
	[tilespmem:$0x16C00] =	vst v63  }
.LBB2_10:
0xc6: {  	_ =	swait.ge [sflag:s1], $0x3200  }
0xc7: {  	[sflag:s1] =	ssyncset.done $0x0  }
0xc8: {  	s5 =	sadd.s32 s30, s12;
	s26 =	simm.s32 $0xA400;
	[sflag:s1] =	ssyncadd.s32 $0xFFFFCE00  }
0xc9: {  	[hbm4b:s5+s2] =	stream.linear.scatter [tilespmem:s26], [sflag:$0x5], $0xC80, $0x38;
	[tilespmem:$0x16C00] =	vst v63  }
0xca: {  	s31 =	simm.s32 $0xB080;
	s26 =	sadd.s32 s30, s21  }
0xcb: {  	[hbm4b:s26+s2] =	stream.linear.scatter [tilespmem:s31], [sflag:$0x5], $0xC80, $0x38;
	[tilespmem:$0x16C00] =	vst v63  }
0xcc: {  	s26 =	sadd.s32 s30, s20;
	s31 =	simm.s32 $0xBD00  }
0xcd: {  	[hbm4b:s26+s2] =	stream.linear.scatter [tilespmem:s31], [sflag:$0x5], $0xC80, $0x38;
	[tilespmem:$0x16C00] =	vst v63  }
0xce: {  	s26 =	sadd.s32 s30, s19;
	s31 =	simm.s32 $0xC980  }
0xcf: {  	[hbm4b:s26+s2] =	stream.linear.scatter [tilespmem:s31], [sflag:$0x5], $0xC80, $0x38;
	[tilespmem:$0x16C00] =	vst v63  }
0xd0: {  	_ =	swait.ge [sflag:s4], $0x3200  }
0xd1: {  	[sflag:s4] =	ssyncset.done $0x0  }
0xd2: {  	s26 =	sadd.s32 $0x640, s5;
	s31 =	simm.s32 $0xD600;
	[sflag:s4] =	ssyncadd.s32 $0xFFFFCE00  }
0xd3: {  	[hbm4b:s26+s2] =	stream.linear.scatter [tilespmem:s31], [sflag:$0x6], $0xC80, $0x38;
	[tilespmem:$0x16C00] =	vst v63  }
0xd4: {  	s26 =	sadd.s32 s30, s18;
	s31 =	simm.s32 $0xE280  }
0xd5: {  	[hbm4b:s26+s2] =	stream.linear.scatter [tilespmem:s31], [sflag:$0x6], $0xC80, $0x38;
	[tilespmem:$0x16C00] =	vst v63  }
0xd6: {  	s26 =	sadd.s32 s30, s17;
	s31 =	simm.s32 $0xEF00  }
0xd7: {  	[hbm4b:s26+s2] =	stream.linear.scatter [tilespmem:s31], [sflag:$0x6], $0xC80, $0x38;
	[tilespmem:$0x16C00] =	vst v63  }
0xd8: {  	s26 =	sadd.s32 s30, s16;
	s31 =	simm.s32 $0xFB80  }
0xd9: {  	[hbm4b:s26+s2] =	stream.linear.scatter [tilespmem:s31], [sflag:$0x6], $0xC80, $0x38;
	[tilespmem:$0x16C00] =	vst v63  }
0xda: {  	_ =	swait.ge [sflag:s8], $0x3200  }
0xdb: {  	[sflag:s8] =	ssyncset.done $0x0  }
0xdc: {  	s26 =	sadd.s32 $0xC80, s5;
	s31 =	simm.s32 $0x10800;
	[sflag:s8] =	ssyncadd.s32 $0xFFFFCE00  }
0xdd: {  	[hbm4b:s26+s2] =	stream.linear.scatter [tilespmem:s31], [sflag:$0x7], $0xC80, $0x38;
	[tilespmem:$0x16C00] =	vst v63  }
0xde: {  	s26 =	sadd.s32 s30, s15;
	s31 =	simm.s32 $0x11480  }
0xdf: {  	[hbm4b:s26+s2] =	stream.linear.scatter [tilespmem:s31], [sflag:$0x7], $0xC80, $0x38;
	[tilespmem:$0x16C00] =	vst v63  }
0xe0: {  	s26 =	sadd.s32 s30, s14;
	s31 =	simm.s32 $0x12100  }
0xe1: {  	[hbm4b:s26+s2] =	stream.linear.scatter [tilespmem:s31], [sflag:$0x7], $0xC80, $0x38;
	[tilespmem:$0x16C00] =	vst v63  }
0xe2: {  	s26 =	sadd.s32 s30, s13;
	s31 =	simm.s32 $0x12D80  }
0xe3: {  	[hbm4b:s26+s2] =	stream.linear.scatter [tilespmem:s31], [sflag:$0x7], $0xC80, $0x38;
	[tilespmem:$0x16C00] =	vst v63  }
0xe4: {  	_ =	swait.ge [sflag:s29], $0x3200  }
0xe5: {  	[sflag:s29] =	ssyncset.done $0x0  }
0xe6: {  	s5 =	sadd.s32 $0x12C0, s5;
	[sflag:s29] =	ssyncadd.s32 $0xFFFFCE00  }
0xe7: {  	[hbm4b:s5+s2] =	stream.linear.scatter [tilespmem:s0], [sflag:$0x8], $0xC80, $0x38;
	[tilespmem:$0x16C00] =	vst v63  }
0xe8: {  	s26 =	sadd.s32 s30, s11;
	s31 =	simm.s32 $0x14680  }
0xe9: {  	[hbm4b:s26+s2] =	stream.linear.scatter [tilespmem:s31], [sflag:$0x8], $0xC80, $0x38;
	[tilespmem:$0x16C00] =	vst v63  }
0xea: {  	s26 =	sadd.s32 s30, s10;
	s31 =	simm.s32 $0x15300  }
0xeb: {  	[hbm4b:s26+s2] =	stream.linear.scatter [tilespmem:s31], [sflag:$0x8], $0xC80, $0x38;
	[tilespmem:$0x16C00] =	vst v63  }
0xec: {  	s31 =	sadd.s32 s30, s9  }
0xed: {  	[hbm4b:s31+s2] =	stream.linear.scatter [tilespmem:s6], [sflag:$0x8], $0xC80, $0x38;
	[tilespmem:$0x16C00] =	vst v63  }
0xee: {  	_ =	swait.ge [sflag:s25], $0xC80  }
0xef: {  	[sflag:s25] =	ssyncset.done $0x0  }
0xf0: {  	[sflag:s25] =	ssyncadd.s32 $0xFFFFF380  }
0xf1: {  	_ =	swait.ge [sflag:s25], $0xC80  }
0xf2: {  	[sflag:s25] =	ssyncset.done $0x0  }
0xf3: {  	[sflag:s25] =	ssyncadd.s32 $0xFFFFF380  }
0xf4: {  	_ =	swait.ge [sflag:s25], $0xC80  }
0xf5: {  	[sflag:s25] =	ssyncset.done $0x0  }
0xf6: {  	[sflag:s25] =	ssyncadd.s32 $0xFFFFF380  }
0xf7: {  	p0 =	seq.s32 s30, $0x30700;
	_ =	swait.ge [sflag:s25], $0xC80  }
0xf8: {  	s5 =	sadd.s32 @!p0 $0xFFFFFDA8, s22;
	[sflag:s25] =	ssyncset.done $0x0  }
0xf9: {  	s26 =	simm.s32 @!p0 $0xC8;
	s31 =	simm.s32 @!p0 $0xA400;
	[sflag:s25] =	ssyncadd.s32 $0xFFFFF380  }
0xfa: {  	[tilespmem:s31], [sflag:$0x1] =	stream.indirect.gather @!p0 [hbm4b:s3+s26], $0x40, s5, s26, $0xb8;
	[tilespmem:$0x16C00] =	vst v63  }
0xfb: {  	_ =	swait.ge [sflag:s7], $0xC80  }
0xfc: {  	[sflag:s7] =	ssyncset.done $0x0  }
0xfd: {  	[sflag:s7] =	ssyncadd.s32 $0xFFFFF380  }
0xfe: {  	_ =	swait.ge [sflag:s7], $0xC80  }
0xff: {  	[sflag:s7] =	ssyncset.done $0x0  }
0x100: {  	[sflag:s7] =	ssyncadd.s32 $0xFFFFF380  }
0x101: {  	_ =	swait.ge [sflag:s7], $0xC80  }
0x102: {  	[sflag:s7] =	ssyncset.done $0x0  }
0x103: {  	[sflag:s7] =	ssyncadd.s32 $0xFFFFF380  }
0x104: {  	_ =	swait.ge [sflag:s7], $0xC80  }
0x105: {  	[sflag:s7] =	ssyncset.done $0x0  }
0x106: {  	s5 =	sadd.s32 @!p0 $0xFFFFFE70, s22;
	s31 =	simm.s32 @!p0 $0xD600;
	[sflag:s7] =	ssyncadd.s32 $0xFFFFF380  }
0x107: {  	[tilespmem:s31], [sflag:$0x2] =	stream.indirect.gather @!p0 [hbm4b:s3+s26], $0x40, s5, s26, $0xb8;
	[tilespmem:$0x16C00] =	vst v63  }
0x108: {  	_ =	swait.ge [sflag:s28], $0xC80  }
0x109: {  	[sflag:s28] =	ssyncset.done $0x0  }
0x10a: {  	[sflag:s28] =	ssyncadd.s32 $0xFFFFF380  }
0x10b: {  	_ =	swait.ge [sflag:s28], $0xC80  }
0x10c: {  	[sflag:s28] =	ssyncset.done $0x0  }
0x10d: {  	[sflag:s28] =	ssyncadd.s32 $0xFFFFF380  }
0x10e: {  	_ =	swait.ge [sflag:s28], $0xC80  }
0x10f: {  	[sflag:s28] =	ssyncset.done $0x0  }
0x110: {  	[sflag:s28] =	ssyncadd.s32 $0xFFFFF380  }
0x111: {  	_ =	swait.ge [sflag:s28], $0xC80  }
0x112: {  	[sflag:s28] =	ssyncset.done $0x0  }
0x113: {  	s5 =	sadd.s32 @!p0 $0xFFFFFF38, s22;
	s31 =	simm.s32 @!p0 $0x10800;
	[sflag:s28] =	ssyncadd.s32 $0xFFFFF380  }
0x114: {  	[tilespmem:s31], [sflag:$0x3] =	stream.indirect.gather @!p0 [hbm4b:s3+s26], $0x40, s5, s26, $0xb8;
	[tilespmem:$0x16C00] =	vst v63  }
0x115: {  	_ =	swait.ge [sflag:s24], $0xC80  }
0x116: {  	[sflag:s24] =	ssyncset.done $0x0  }
0x117: {  	[sflag:s24] =	ssyncadd.s32 $0xFFFFF380  }
0x118: {  	_ =	swait.ge [sflag:s24], $0xC80  }
0x119: {  	[sflag:s24] =	ssyncset.done $0x0  }
0x11a: {  	[sflag:s24] =	ssyncadd.s32 $0xFFFFF380  }
0x11b: {  	_ =	swait.ge [sflag:s24], $0xC80  }
.Ltmp6:
0x11c: {  	[sflag:s24] =	ssyncset.done $0x0;
	(pc) =	sbr.rel @p0 .LBB2_12-.Ltmp6, $4  }
0x11d: {  	[sflag:s24] =	ssyncadd.s32 $0xFFFFF380  }
0x11e: {  	_ =	swait.ge [sflag:s24], $0xC80  }
0x11f: {  	[sflag:s24] =	ssyncset.done $0x0  }
0x120: {  	[sflag:s24] =	ssyncadd.s32 $0xFFFFF380  }
.Ltmp7:
0x121: {  	(pc) =	sbr.rel .LBB2_10-.Ltmp7, $3  }
0x122: {  	_ =	sdelay $0x1  }
0x123: {  	[tilespmem:s0], [sflag:$0x4] =	stream.indirect.gather [hbm4b:s3+s23], $0x40, s22, s23, $0xb8;
	[tilespmem:$0x16C00] =	vst v63  }
0x124: {  	s22 =	sadd.s32 $0x320, s22;
	s30 =	sadd.s32 $0x1900, s30  }
.LBB2_13:
0x125: {  	_ =	sfence.sel $0x180000  }
0x126: {  	[bflag:$0x0] =	sbarrier.arrive $0xFFFF  }
0x127: {  	_ =	strace $0x90000047  }
0x128: {  	s0 =	stileid.u32;
	[bflag:$0x2] =	sbarrier.arrive $0xFFFF  }
0x129: {  	p0 =	sne.s32 s0, $0x0;
	s0 =	rddreg [dreg:$0x2]  }
0x12a: {  	s0 =	sadd.s32 @!p0 $0x100000, s0  }
0x12b: {  	[sflag:s0] =	ssyncadd.tile.s32 @!p0 $0x1;
	_ =	shalt  }
.Lfunc_end2:
_tile_overlayer_lowered:
.L_overlay_start_2:
0x12c: {  	(tag) =	ssettag $0x2  }
0x12d: {  	s0 =	rddreg [dreg:$0x0];
	s2 =	stileid.u32  }
0x12e: {  	s1 =	rddreg [dreg:$0x1];
	p0 =	sne.s32 s2, $0x0  }
0x12f: {  	s3 =	rddreg [dreg:$0x2];
	[bflag:$0x3] =	sbarrier.arrive $0xFFFF;
	s2 =	simm.s32 @!p0 $0x1C09  }
0x130: {  	[timem:s3], [sflag:s2] =	dma.local @!p0 [hbm:s0], s1  }
0x131: {  	s0 =	simm.s32 @!p0 $0x9  }
0x132: {  	_ =	swait.ge @!p0 [sflag:s0], s1  }
0x133: {  	s1 =	ssub.s32 @!p0 $0x0, s1;
	[sflag:s0] =	ssyncset.done @!p0 $0x0  }
0x134: {  	[sflag:s0] =	ssyncadd.s32 @!p0 s1  }
0x135: {  	[bflag:$0x3] =	sbarrier.arrive $0xFFFF  }
0x136: {  	_ =	shalt  }

// kernel: sparse-core-data-format-call.cloned.1.call-start
scs
called_computation_lowered:
.L_overlay_start_0:
0x0: {  	s2 =	sld [smem:$0x3FD9]  }
0x1: {  	s3 =	sld [smem:$0x3FFE];
	_ =	sdelay $0x1  }
0x2: {  	s1 =	srdreg.scid  }
0x3: {  	s0 =	sand.u32 $0x1, s1  }
0x4: {  	s18 =	sshll.u32 s0, $0xA;
	s2 =	sadd.s32 s3, s2  }
0x5: {  	s2 =	sadd.s32 s2, s18  }
0x6: {  	[smem:$0x3FC6] =	sst s2  }
0x7: {  	_ = 	snop  }
0x8: {  	s2 =	sld [smem:$0x3FD0];
	(tm) =	ssettm $0x1  }
0x9: {  	s19 =	sld [smem:$0x3FFB];
	_ =	sdelay $0x3  }
0xa: {  	_ =	strace s19  }
0xb: {  	s3 =	sld [smem:$0x3FFC];
	_ =	sdelay $0x3  }
0xc: {  	_ =	strace s3  }
0xd: {  	s3 =	sld [smem:$0x3FFD];
	_ =	sdelay $0x3  }
0xe: {  	_ =	strace s3  }
0xf: {  	_ =	strace $0x8FFFFFFF  }
0x10: {  	s20 =	sld [smem:$0x3FDB];
	_ =	sdelay $0x1  }
0x11: {  	s4 =	simm.s32 $_scs_section_size  }
0x12: {  	s5 =	simm.s32 $_size__tile_overlayer_lowered;
	s6 =	simm.s32 $_tile_overlayer_lowered  }
0x13: {  	s23 =	simm.s32 $0x1BFF;
	s22 =	sshll.u32 s6, $0x1;
	s3 =	sadd.s32 s4, s20  }
0x14: {  	s7 =	simm.s32 $0x0;
	s21 =	sshll.u32 s5, $0x1;
	s5 =	sadd.s32 s22, s3  }
0x15: {  	[timem:s7], [sflag:s23] =	dma.local [hbm:s5], s21  }
0x16: {  	_ =	swait.ge [sflag:s23], s21  }
0x17: {  	s4 =	ssub.s32 $0x0, s21;
	[sflag:s23] =	ssyncset.done $0x0  }
0x18: {  	[sflag:s23] =	ssyncadd.s32 s4;
	_ =	sdelay $0x1  }
0x19: {  	s24 =	simm.s32 $0x1B8B  }
0x1a: {  	_ =	swait.ge [sflag:s24], $0x1  }
0x1b: {  	[sflag:s24] =	ssyncset.done $0x0  }
0x1c: {  	s26 =	simm.s32 $0x1B8E;
	s25 =	sld [smem:$0x3FFE];
	[sflag:s24] =	ssyncadd.s32 $0xFFFFFFFF  }
0x1d: {  	s27 =	simm.s32 $execute0_lowered;
	[smem:$0x3FD2] =	sst s26  }
0x1e: {  	s5 =	sshll.u32 s27, $0x1;
	_ =	strace $0x80000049;
	[dreg:$0x1] =	wrdreg $0xFFFFFFFF  }
0x1f: {  	s28 =	simm.s32 $_size_execute0_lowered;
	s3 =	sadd.s32 s3, s5;
	[dreg:$0x0] =	wrdreg $0x0  }
0x20: {  	s5 =	sshll.u32 s28, $0x1;
	[dreg:$0x2] =	wrdreg s3  }
0x21: {  	[dreg:$0x3] =	wrdreg s5  }
0x22: {  	[dreg:$0x4] =	wrdreg $0xC0  }
0x23: {  	_ =	task [dreg:s7], $0x5FFFF  }
0x24: {  	[dreg:$0x1] =	wrdreg $0xFFFFFFFF  }
0x25: {  	[dreg:$0x0] =	wrdreg $0x60  }
0x26: {  	[dreg:$0x2] =	wrdreg s25  }
0x27: {  	[dreg:$0x3] =	wrdreg s2  }
0x28: {  	[dreg:$0x4] =	wrdreg $0x9  }
0x29: {  	_ =	task.clear_ibuf [dreg:s7], $0x5FFFF;
	_ =	strace $0x90000049  }
0x2a: {  	s29 =	simm.s32 $0x9;
	_ =	strace $0x8000004B  }
0x2b: {  	_ =	swait.ge [sflag:s29], $0x1  }
0x2c: {  	[sflag:s29] =	ssyncadd.s32 $0xFFFFFFFF  }
0x2d: {  	_ =	strace $0x9000004B  }
0x2e: {  	_ =	sfence  }
0x2f: {  	s30 =	sld [smem:$0x0];
	_ =	sdelay $0x2  }
0x30: {  	s31 =	sshll.u32 s1, $0xD;
	s1 =	sshrl.u32 s1, $0x2  }
0x31: {  	s3 =	sand.u32 $0x4000, s31;
	s1 =	sadd.s32 s1, s30  }
0x32: {  	s0 =	sor.u32 s3, s0;
	s1 =	sshll.u32 s1, $0x11  }
0x33: {  	s0 =	sor.u32 s1, s0  }
0x34: {  	s0 =	sadd.s32 $0x8F2B, s0  }
0x35: {  	[sflag:s0] =	ssyncadd.remote.s32 $0x1  }
0x36: {  	_ =	sfence.sel $0xFFFF  }
0x37: {  	[dreg:$0x0] =	wrdreg $0xFFFFFFFF;
	(pc) =	sbr.abs _section_cstart, $3  }
0x38: {  	[dreg:$0x1] =	wrdreg $0xFFFFFFFF  }
0x39: {  	_ =	task.clear_ibuf [dreg:s7], $0x2FFFF;
	_ =	strace $0x9FFFFFFF  }
0x3a: {  	(tm) =	ssettm $0x7FFFFFFF  }
0x3b: {  	_ =	shalt  }
tec
execute0_lowered:
.L_overlay_start_1:
0x0: {  	(tag) =	ssettag $0x1  }
0x1: {  	s0 =	srdreg.scid  }
0x2: {  	s1 =	sshll.u32 s0, $0x4  }
0x3: {  	s0 =	stileid.u32;
	s1 =	sand.u32 $0x10, s1  }
0x4: {  	s1 =	sor.u32 s0, s1  }
0x5: {  	s6 =	rddreg [dreg:$0x0];
	s4 =	simm.s32 $0x1;
	s2 =	sshll.u32 s1, $0x7  }
0x6: {  	s7 =	simm.s32 $0x2;
	s12 =	simm.s32 $0x0;
	s1 =	ssub.s32 $0x4000, s2  }
0x7: {  	s8 =	simm.s32 $0x20000;
	s13 =	simm.s32 $0x0;
	s3 =	sand.u32 $0xF80, s1  }
0x8: {  	s9 =	simm.s32 $0x0;
	s5 =	sshrl.u32 s1, $0xC;
	p0 =	sne.s32 s3, $0x0  }
.Ltmp0:
0x9: {  	s1 =	rddreg [dreg:$0x2];
	s4 =	simm.s32 @!p0 $0x0;
	(pc) =	sbr.rel .LBB1_1-.Ltmp0, $4  }
0xa: {  	s11 =	simm.s32 $0x0;
	s3 =	rddreg [dreg:$0x1];
	s5 =	sadd.s32 s4, s5  }
0xb: {  	_ =	strace $0x8000004A;
	s4 =	simm.s32 $0x1;
	s5 =	smul.u32 $0x32, s5  }
0xc: {  	s6 =	sadd.s32 $0xA00, s6;
	s10 =	smov.u32 s2;
	[sflag:s4] =	ssyncpa.u1 $0x0  }
0xd: {  	p0 =	por $0x0, $0x0;
	[sflag:s7] =	ssyncpa.u1 $0x0;
	s7 =	sor.u32 $0x1, s5  }
.LBB1_4:
0xe: {  	s16 =	sshll.u32 s13, $0x3;
	s17 =	sand.u32 $0x78, s13  }
0xf: {  	s30 =	sand.u32 $0x1F800, s13;
	s12 =	sshll.u32 s12, $0x11;
	s16 =	sand.u32 $0x3C00, s16  }
0x10: {  	[tilespmem:s15+$0x810 ss:$0x81] =	vst.msk $0xffff, v2;
	s31 =	sand.u32 $0x7, s13;
	s16 =	sor.u32 s17, s16;
	s17 =	sadd.s32 s3, s30  }
0x11: {  	[tilespmem:s15+$0x1020 ss:$0x81] =	vst.msk $0xffff, v0;
	s13 =	sshll.u32 s31, $0x12;
	s12 =	sadd.s32 s12, s17;
	s16 =	sshrl.u32 s16, $0x3  }
0x12: {  	[tilespmem:s15+$0x0 ss:$0x81] =	vst.msk $0xffff, v1;
	s13 =	sor.u32 $0x400, s13;
	s12 =	sadd.s32 s16, s12  }
0x13: {  	[hbm4b:s12+s13] =	stream.strided.scatter [tilespmem:s14], [sflag:$0x2], $0x2000, s8, s13, $0x20;
	[tilespmem:$0x8080] =	vst v63  }
.LBB1_5:
0x14: {  	s14 =	sadd.s32 $0x1, s9  }
0x15: {  	s12 =	sadd.s32 $0x1000, s10;
	s16 =	smov.u32 s10;
	p2 =	sgt.s32 s14, $0x31  }
0x16: {  	s16 =	smov.u32 @p2 s12  }
0x17: {  	s14 =	simm.s32 @p2 $0x0;
	p2 =	sgt.s32 s16, $0x3FFF  }
0x18: {  	s16 =	smov.u32 @p2 s2;
	p2 =	sne.s32 s11, s7  }
.Ltmp1:
0x19: {  	p1 =	slt.u32 s11, $0x2;
	(pc) =	sbr.rel @!p2 .LBB1_6-.Ltmp1, $4  }
0x1a: {  	s15 =	simm.s32 @!p1 $0x2  }
0x1b: {  	s13 =	smov.u32 s10;
	p0 =	por !p0, !p0;
	_ =	swait.ge @!p1 [sflag:s15], $0x2000  }
0x1c: {  	s12 =	smov.u32 s9;
	[sflag:s15] =	ssyncset.done @!p1 $0x0;
	s9 =	smov.u32 s14  }
0x1d: {  	s11 =	sadd.s32 $0x1, s11;
	[sflag:s15] =	ssyncadd.s32 @!p1 $0xFFFFE000;
	s10 =	smov.u32 s16  }
.LBB1_1:
0x1e: {  	p1 =	sge.u32 s11, s5  }
0x1f: {  	s14 =	sand.u32 @!p1 $0x1FFFFFF, s9  }
0x20: {  	s15 =	smulhi.u32 @!p1 $0x4924925, s14;
	_ =	sdelay $0x1  }
0x21: {  	s15 =	smul.u32 @!p1 $0x38, s15  }
0x22: {  	s16 =	sxor.u32 @!p1 $0xFFFFFFFF, s11;
	s17 =	smul.u32 @!p1 $0x380, s10  }
0x23: {  	s31 =	sadd.s32 $0xFFFFFFFF, s11;
	s16 =	sshll.u32 @!p1 s16, $0xD;
	s14 =	ssub.s32 @!p1 s14, s15  }
0x24: {  	s15 =	sand.u32 @!p1 $0x2000, s16;
	s16 =	sadd.s32 @!p1 s6, s17;
	s14 =	sshll.u32 @!p1 s14, $0x4  }
0x25: {  	s17 =	simm.s32 @!p1 $0x1C00;
	s14 =	sadd.s32 @!p1 s14, s16;
	s16 =	simm.s32 @!p1 $0x40  }
0x26: {  	[tilespmem:s15], [sflag:$0x1] =	stream.strided.gather @!p1 [hbm4b:s14+s16], $0x2000, s17, s16, $0x38;
	[tilespmem:$0x8080] =	vst v63  }
0x27: {  	p1 =	sge.u32 s31, s5  }
.Ltmp2:
0x28: {  	_ = 	snop;
	(pc) =	sbr.rel @p1 .LBB1_5-.Ltmp2, $1  }
0x29: {  	_ =	sdelay $0x3  }
0x2a: {  	s14 =	simm.s32 $0x1  }
0x2b: {  	_ =	swait.ge [sflag:s4], $0x2000;
	s14 =	simm.s32 @!p0 $0x0  }
0x2c: {  	[sflag:s4] =	ssyncset.done $0x0;
	s15 =	sshll.u32 s14, $0xD  }
0x2d: {  	[sflag:s4] =	ssyncadd.s32 $0xFFFFE000;
	s18 =	sor.u32 $0x20, s15  }
0x2e: {  	s14 =	smul.u32 $0x8100, s14;
	v3 =	vld [tilespmem:s18+$0x10]  }
0x2f: {  	s30 =	sand.u32 $0x1, s11;
	v2 =	vld [tilespmem:s18+$0xFFFFFFF0]  }
0x30: {  	s15 =	smul.u32 $0x8100, s30;
	s14 =	sshrl.u32 s14, $0x2;
	v0 =	vld [tilespmem:s18+$0x0]  }
0x31: {  	v1 =	vld [tilespmem:s18+$0xFFFFFFE0];
	s16 =	sor.u32 $0x4000, s14  }
0x32: {  	s31 =	sshrl.u32 s15, $0x2;
	s15 =	sadd.s32 $0x0, s16  }
0x33: {  	s17 =	simm.s32 $0x4;
	s18 =	sadd.s32 $0x40, s18;
	s14 =	sor.u32 $0x4000, s31;
	[tilespmem:s15+$0x1830 ss:$0x81] =	vst.msk $0xffff, v3  }
.LBB1_3:
0x34: {  	v3 =	vld [tilespmem:s18+$0x10];
	p1 =	sne.s32 s17, $0x1FC;
	[tilespmem:s15+$0x810 ss:$0x81] =	vst.msk $0xffff, v2;
	s19 =	smov.u32 s17;
	s17 =	sadd.s32 $0x4, s17  }
.Ltmp3:
0x35: {  	v2 =	vld [tilespmem:s18+$0xFFFFFFF0];
	[tilespmem:s15+$0x1020 ss:$0x81] =	vst.msk $0xffff, v0;
	(pc) =	sbr.rel @p1 .LBB1_3-.Ltmp3, $4  }
0x36: {  	v0 =	vld [tilespmem:s18+$0x0];
	[tilespmem:s15+$0x0 ss:$0x81] =	vst.msk $0xffff, v1  }
0x37: {  	s15 =	sshra.s32 s19, $0x2;
	v1 =	vld [tilespmem:s18+$0xFFFFFFE0]  }
0x38: {  	s15 =	sadd.s32 s15, s16  }
0x39: {  	s18 =	sadd.s32 $0x40, s18;
	[tilespmem:s15+$0x1830 ss:$0x81] =	vst.msk $0xffff, v3  }
.Ltmp4:
0x3a: {  	_ = 	snop;
	(pc) =	sbr.rel .LBB1_4-.Ltmp4, $1  }
0x3b: {  	_ =	sdelay $0x3  }
.LBB1_6:
0x3c: {  	_ =	sfence.sel $0x180000  }
0x3d: {  	s2 =	simm.s32 $0x1;
	[bflag:$0x0] =	sbarrier.arrive $0xFFFF  }
0x3e: {  	s31 =	simm.s32 $0x2;
	[sflag:s2] =	ssyncpa.u1 $0x1  }
0x3f: {  	[sflag:s31] =	ssyncpa.u1 $0x1  }
0x40: {  	p0 =	sne.s32 s0, $0x0;
	_ =	strace $0x9000004A  }
0x41: {  	s0 =	sadd.s32 @!p0 $0x100000, s1;
	[bflag:$0x2] =	sbarrier.arrive $0xFFFF  }
0x42: {  	[sflag:s0] =	ssyncadd.tile.s32 @!p0 $0x1;
	_ =	shalt  }
.Lfunc_end1:
_tile_overlayer_lowered:
.L_overlay_start_2:
0x43: {  	(tag) =	ssettag $0x2  }
0x44: {  	s0 =	rddreg [dreg:$0x0];
	s2 =	stileid.u32  }
0x45: {  	s1 =	rddreg [dreg:$0x1];
	p0 =	sne.s32 s2, $0x0  }
0x46: {  	s3 =	rddreg [dreg:$0x2];
	[bflag:$0x3] =	sbarrier.arrive $0xFFFF;
	s2 =	simm.s32 @!p0 $0x1C01  }
0x47: {  	[timem:s3], [sflag:s2] =	dma.local @!p0 [hbm:s0], s1  }
0x48: {  	s0 =	simm.s32 @!p0 $0x1  }
0x49: {  	_ =	swait.ge @!p0 [sflag:s0], s1  }
0x4a: {  	s1 =	ssub.s32 @!p0 $0x0, s1;
	[sflag:s0] =	ssyncset.done @!p0 $0x0  }
0x4b: {  	[sflag:s0] =	ssyncadd.s32 @!p0 s1  }
0x4c: {  	[bflag:$0x3] =	sbarrier.arrive $0xFFFF  }
0x4d: {  	_ =	shalt  }

</sc_bundles>
